<compile_context>
chip_gen: v7x
topology: tpu7x:2x2x1
jax: 0.10.2.dev20260603
libtpu: 0.0.44.dev20260713+nightly
codegen_flags: <defaults>
</compile_context>

<pallas_src>
import functools

import jax
import jax.numpy as jnp
from jax import lax
from jax.experimental import pallas as pl
from jax.experimental.pallas import tpu as pltpu
from jax.experimental.pallas import tpu_sc as plsc

B = 8
L = 64
P = 4
SEN = 20
D = 300
H = 5
STEPS = 2
NODES_PER = L + P
N = B * NODES_PER
NU = B * L
NPARTY = B * P
NIDS = NU * SEN

NEG = -1e30
DA = 256
DB = D - DA
DBP = 128



def _sc_gather(table, tail, ids):
    info = plsc.get_sparse_core_info()
    nw = info.num_cores * info.num_subcores
    per_w = NIDS // nw

    mesh = plsc.VectorSubcoreMesh(core_axis_name="c", subcore_axis_name="s")

    @functools.partial(
        pl.kernel,
        mesh=mesh,
        out_type=(jax.ShapeDtypeStruct((NIDS, DA), jnp.float32),
                  jax.ShapeDtypeStruct((NIDS, DBP), jnp.float32)),
        scratch_types=[
            pltpu.VMEM((per_w,), jnp.int32),
            pltpu.VMEM((per_w, DA), jnp.float32),
            pltpu.VMEM((per_w, DBP), jnp.float32),
            pltpu.SemaphoreType.DMA,
            pltpu.SemaphoreType.DMA,
        ],
    )
    def gather_kernel(table_hbm, tail_hbm, idx_hbm, outa_hbm, outb_hbm,
                      idx_v, rowsa_v, rowsb_v, sema, semb):
        wid = lax.axis_index("s") * info.num_cores + lax.axis_index("c")
        base = wid * per_w
        pltpu.sync_copy(idx_hbm.at[pl.ds(base, per_w)], idx_v)
        ca = pltpu.async_copy(table_hbm.at[idx_v, pl.ds(0, DA)], rowsa_v, sema)
        cb = pltpu.async_copy(tail_hbm.at[idx_v], rowsb_v, semb)
        ca.wait()
        cb.wait()
        pltpu.sync_copy(rowsa_v, outa_hbm.at[pl.ds(base, per_w)])
        pltpu.sync_copy(rowsb_v, outb_hbm.at[pl.ds(base, per_w)])

    return gather_kernel(table, tail, ids)


def _structural_masks():
    f32 = jnp.float32
    ii = jnp.arange(N, dtype=jnp.int32)
    bi = ii // NODES_PER
    ri = ii % NODES_PER
    bic, ric = bi[:, None], ri[:, None]
    bjr, rjr = bi[None, :], ri[None, :]
    beq = bic == bjr
    uu = beq & (ric < L) & (rjr < L) & (jnp.abs(ric - rjr) == 1)
    up = beq & (ric < L) & (rjr >= L) & (rjr - L == ric % P)
    pu = beq & (ric >= L) & (rjr < L) & (ric - L == rjr % P)
    adj = (uu | up | pu).astype(f32)
    bb = jnp.arange(B, dtype=jnp.int32)[:, None]
    mask_p = (jnp.arange(NPARTY, dtype=jnp.int32)[None, :] // P == bb).astype(f32)
    mask_u = (jnp.arange(NU, dtype=jnp.int32)[None, :] // L == bb).astype(f32)
    return adj, mask_p, mask_u



CNN_BLK = 64


def _cnn_kernel(emba_ref, embb_ref, wa_ref, wb_ref, b_ref, out_ref):
    blk = emba_ref.shape[0]
    ea = emba_ref[...].reshape(blk * SEN, DA)
    eb = embb_ref[...].reshape(blk * SEN, DBP)
    z = (jnp.dot(ea, wa_ref[...], preferred_element_type=jnp.float32)
         + jnp.dot(eb, wb_ref[...], preferred_element_type=jnp.float32))
    z3 = z.reshape(blk, SEN, 1200)
    y3 = (z3[:, 0:18, 0:100] + z3[:, 1:19, 100:200] + z3[:, 2:20, 200:300])
    y4 = (z3[:, 0:17, 300:400] + z3[:, 1:18, 400:500]
          + z3[:, 2:19, 500:600] + z3[:, 3:20, 600:700])
    y5 = (z3[:, 0:16, 700:800] + z3[:, 1:17, 800:900] + z3[:, 2:18, 900:1000]
          + z3[:, 3:19, 1000:1100] + z3[:, 4:20, 1100:1200])
    m3 = jnp.max(y3, axis=1)
    m4 = jnp.max(y4, axis=1)
    m5 = jnp.max(y5, axis=1)
    out_ref[...] = jnp.concatenate([m3, m4, m5], axis=1) + b_ref[...]


def _cnn(emba, embb, w_a, w_b, b_cat):
    grid = NU // CNN_BLK
    return pl.pallas_call(
        _cnn_kernel,
        grid=(grid,),
        in_specs=[
            pl.BlockSpec((CNN_BLK, SEN, DA), lambda i: (i, 0, 0)),
            pl.BlockSpec((CNN_BLK, SEN, DBP), lambda i: (i, 0, 0)),
            pl.BlockSpec((DA, 1200), lambda i: (0, 0)),
            pl.BlockSpec((DBP, 1200), lambda i: (0, 0)),
            pl.BlockSpec((1, D), lambda i: (0, 0)),
        ],
        out_specs=pl.BlockSpec((CNN_BLK, D), lambda i: (i, 0)),
        out_shape=jax.ShapeDtypeStruct((NU, D), jnp.float32),
    )(emba, embb, w_a, w_b, b_cat)




def _graph_kernel(wx_ref, pos_ref, party_ref, adj_ref,
                  fc0_ref, alT0_ref, arT0_ref, rsum0_ref, bsum0_ref,
                  fc1_ref, alT1_ref, arT1_ref, rsum1_ref, bsum1_ref,
                  pWh_ref, pbh_ref, pwcT_ref, sWh_ref, sbh_ref, swcT_ref,
                  mp_ref, mu_ref, py_ref, vW_ref, vb_ref, oW_ref, ob_ref,
                  out_ref):
    adj = adj_ref[...]
    hu3 = (wx_ref[...] + pos_ref[...]).reshape(B, L, D)
    hp3 = party_ref[...].reshape(B, P, D)
    h = jnp.concatenate([hu3, hp3], axis=1).reshape(N, D)

    gat = ((fc0_ref, alT0_ref, arT0_ref, rsum0_ref, bsum0_ref),
           (fc1_ref, alT1_ref, arT1_ref, rsum1_ref, bsum1_ref))
    for fc_ref, alT_ref, arT_ref, rsum_ref, bsum_ref in gat:
        hf = jnp.dot(h, fc_ref[...], preferred_element_type=jnp.float32)
        acc = jnp.dot(h, rsum_ref[...], preferred_element_type=jnp.float32)
        acc = acc + bsum_ref[...]
        for hh in range(H):
            hf_h = hf[:, hh * D:(hh + 1) * D]
            er = jnp.dot(hf_h, arT_ref[...][:, hh:hh + 1],
                         preferred_element_type=jnp.float32)
            el_row = lax.dot_general(
                alT_ref[...][:, hh:hh + 1], hf_h,
                (((0,), (1,)), ((), ())),
                preferred_element_type=jnp.float32)
            e = er + el_row
            e = jnp.where(e > 0, e, 0.2 * e)
            e = jnp.where(adj > 0, e, NEG)
            m = jnp.max(e, axis=1, keepdims=True)
            ex = jnp.exp(e - m) * adj
            s = jnp.sum(ex, axis=1, keepdims=True) + 1e-16
            a = ex / s
            acc = acc + jnp.dot(a, hf_h, preferred_element_type=jnp.float32)
        h = acc * (1.0 / H)

    h3 = h.reshape(B, NODES_PER, D)
    hu = h3[:, :L, :].reshape(NU, D)
    hp = h3[:, L:, :].reshape(NPARTY, D)

    def pool(xv, Wh_ref, bh_ref, wcT_ref, mask_ref):
        th = jnp.tanh(jnp.dot(xv, Wh_ref[...],
                              preferred_element_type=jnp.float32)
                      + bh_ref[...])
        sc = lax.dot_general(wcT_ref[...], th, (((1,), (1,)), ((), ())),
                             preferred_element_type=jnp.float32)
        msk = mask_ref[...]
        scb = jnp.where(msk > 0, sc, NEG)
        mx = jnp.max(scb, axis=1, keepdims=True)
        ex = jnp.exp(scb - mx) * msk
        ssum = jnp.sum(ex, axis=1, keepdims=True) + 1e-16
        alpha = ex / ssum
        return jnp.dot(alpha, xv, preferred_element_type=jnp.float32)

    px = pool(hp, pWh_ref, pbh_ref, pwcT_ref, mp_ref)
    sx = pool(hu, sWh_ref, sbh_ref, swcT_ref, mu_ref)
    vx = py_ref[...] * vW_ref[...] + vb_ref[...]
    ox = jnp.concatenate([px, sx, vx], axis=1)
    out_ref[...] = (jnp.dot(ox, oW_ref[...],
                            preferred_element_type=jnp.float32) + ob_ref[...])


def _graph(wx, pos_rows, party_rows, adj, gat_params, pool_params,
           mask_p, mask_u, py2, vW, vb2, outW, outb2):
    ops = [wx, pos_rows, party_rows, adj]
    for g in gat_params:
        ops += list(g)
    ops += list(pool_params)
    ops += [mask_p, mask_u, py2, vW, vb2, outW, outb2]
    return pl.pallas_call(
        _graph_kernel,
        out_shape=jax.ShapeDtypeStruct((B, 1), jnp.float32),
    )(*ops)




def kernel(x, py, W_emb, params, src, dst, utt_idx, party_idx, pids, lids,
           seg_utt, seg_party):
    f32 = jnp.float32

    ids = x.reshape(NIDS).astype(jnp.int32)
    table = W_emb.astype(f32)
    tail = jnp.pad(table[:, DA:], ((0, 0), (0, DBP - DB)))
    emba, embb = _sc_gather(table, tail, ids)
    emba = emba.reshape(NU, SEN, DA)
    embb = embb.reshape(NU, SEN, DBP)

    taps = []
    bs = []
    for w in (3, 4, 5):
        cw = params['conv%d_w' % w]
        for k in range(w):
            taps.append(jnp.transpose(cw[:, 0, k, :]))
        bs.append(params['conv%d_b' % w])
    w_cat = jnp.concatenate(taps, axis=1).astype(f32)
    w_a = w_cat[:DA]
    w_b = jnp.pad(w_cat[DA:], ((0, DBP - DB), (0, 0)))
    b_cat = jnp.concatenate(bs).reshape(1, D).astype(f32)

    wx = _cnn(emba, embb, w_a, w_b, b_cat)

    pos_rows = params['sen_pos'][lids].astype(f32)
    party_rows = params['party_emb'][pids].astype(f32)
    adj, mask_p, mask_u = _structural_masks()

    gat_params = []
    for s in range(STEPS):
        fc = params['gat%d_fc' % s].astype(f32)
        alT = jnp.transpose(params['gat%d_al' % s]).astype(f32)
        arT = jnp.transpose(params['gat%d_ar' % s]).astype(f32)
        res = params['gat%d_res' % s].astype(f32).reshape(D, H, D)
        rsum = jnp.sum(res, axis=1)
        bsum = jnp.sum(params['gat%d_b' % s].astype(f32).reshape(H, D),
                       axis=0).reshape(1, D)
        gat_params.append((fc, alT, arT, rsum, bsum))

    pool_params = (
        params['party_Wh'].astype(f32), params['party_bh'].reshape(1, D).astype(f32),
        jnp.transpose(params['party_wc']).astype(f32),
        params['sen_Wh'].astype(f32), params['sen_bh'].reshape(1, D).astype(f32),
        jnp.transpose(params['sen_wc']).astype(f32),
    )

    py2 = py.reshape(B, 1).astype(f32)
    vW = params['v_W'].astype(f32)
    vb2 = params['v_b'].reshape(1, D).astype(f32)
    outW = params['out_W'].astype(f32)
    outb2 = params['out_b'].reshape(1, 1).astype(f32)

    return _graph(wx, pos_rows, party_rows, adj, gat_params, pool_params,
                  mask_p, mask_u, py2, vW, vb2, outW, outb2)

# --- scband reference (transcript-rebuilt; emitter-appended) ---
"""Pipeline reference for scband-dialogue-gat-17059610100341 (READ-ONLY COPY).

The authoritative reference and input builder live on the scoring server;
editing this copy changes nothing except your own understanding.
"""

import jax, jax.numpy as jnp
import numpy as np

B = 8; L = 64; P = 4; SEN = 20; VOCAB = 100000; D = 300; H = 5; STEPS = 2
NODES_PER = L + P; N = B * NODES_PER; NU = B * L; NPARTY = B * P; MAXLEN = 512


def _build_graph():
    src = []; dst = []; pids = []; lids = []
    utt_idx = []; party_idx = []; seg_utt = []; seg_party = []
    for i in range(B):
        base = i * NODES_PER
        for j in range(L - 1):
            src += [base + j, base + j + 1]
            dst += [base + j + 1, base + j]
        for j in range(L):
            q = base + L + (j % P)
            src += [base + j, q]
            dst += [q, base + j]
        utt_idx += list(range(base, base + L))
        party_idx += list(range(base + L, base + L + P))
        pids += [i * P + k for k in range(P)]
        lids += list(range(L))
        seg_utt += [i] * L
        seg_party += [i] * P
    f = lambda a: jnp.asarray(np.array(a, dtype=np.int32))
    return f(src), f(dst), f(utt_idx), f(party_idx), f(pids), f(lids), f(seg_utt), f(seg_party)


def _init_params(key):
    ks = iter(jax.random.split(key, 64))
    p = {}
    for w in (3, 4, 5):
        p['conv%d_w' % w] = jax.random.normal(next(ks), (100, 1, w, D)) * 0.05
        p['conv%d_b' % w] = jnp.zeros((100,))
    p['party_emb'] = jax.random.normal(next(ks), (NPARTY, D)) * 0.02
    p['sen_pos'] = jax.random.normal(next(ks), (MAXLEN, D)) * 0.02
    for s in range(STEPS):
        p['gat%d_fc' % s] = jax.random.normal(next(ks), (D, H * D)) * 0.02
        p['gat%d_al' % s] = jax.random.normal(next(ks), (H, D)) * 0.02
        p['gat%d_ar' % s] = jax.random.normal(next(ks), (H, D)) * 0.02
        p['gat%d_res' % s] = jax.random.normal(next(ks), (D, H * D)) * 0.02
        p['gat%d_b' % s] = jnp.zeros((H * D,))
    for nm in ('party', 'sen'):
        p[nm + '_Wh'] = jax.random.normal(next(ks), (D, D)) * 0.02
        p[nm + '_bh'] = jnp.zeros((D,))
        p[nm + '_wc'] = jax.random.normal(next(ks), (D, 1)) * 0.02
    p['v_W'] = jax.random.normal(next(ks), (1, D)) * 0.02
    p['v_b'] = jnp.zeros((D,))
    p['out_W'] = jax.random.normal(next(ks), (3 * D, 1)) * 0.02
    p['out_b'] = jnp.zeros((1,))
    return p


def setup_inputs(seed: int = 0):
    key = jax.random.key(seed)
    k1, k2, k3, k4 = jax.random.split(key, 4)
    src, dst, utt_idx, party_idx, pids, lids, seg_utt, seg_party = _build_graph()
    return {
        'x': jax.random.randint(k1, (NU, SEN), 0, VOCAB, dtype=jnp.int32),
        'py': jax.random.normal(k2, (B,)),
        'W_emb': jax.random.normal(k3, (VOCAB, D)) * 0.1,
        'params': _init_params(k4),
        'src': src, 'dst': dst, 'utt_idx': utt_idx, 'party_idx': party_idx,
        'pids': pids, 'lids': lids, 'seg_utt': seg_utt, 'seg_party': seg_party,
    }


def _seg_softmax(e, seg, n):
    m = jax.ops.segment_max(e, seg, num_segments=n)
    ex = jnp.exp(e - m[seg])
    s = jax.ops.segment_sum(ex, seg, num_segments=n)
    return ex / (s[seg] + 1e-16)


def _ctx_attn(xv, seg, nseg, Wh, bh, wc):
    h = jnp.tanh(xv @ Wh + bh)
    sc = (h @ wc)[:, 0]
    alpha = _seg_softmax(sc, seg, nseg)[:, None]
    return jax.ops.segment_sum(alpha * xv, seg, num_segments=nseg)


def _forward(params, py, x, W_emb, src, dst, utt_idx, party_idx, pids, lids, seg_utt, seg_party):
    # text CNN encoder (word_emb frozen, from_pretrained)
    emb = W_emb[x][:, None, :, :]  # [NU, 1, SEN, D]
    pooled = []
    for w in (3, 4, 5):
        y = jax.lax.conv_general_dilated(
            emb, params['conv%d_w' % w], (1, 1), 'VALID',
            dimension_numbers=('NCHW', 'OIHW', 'NCHW'))
        y = y + params['conv%d_b' % w][None, :, None, None]
        pooled.append(jnp.max(y[..., 0], axis=2))  # max_pool1d over full time
    wx = jnp.concatenate(pooled, axis=1)  # [NU, 300]
    # batched dialogue graph node features
    feat = jnp.zeros((N, D), wx.dtype)
    feat = feat.at[utt_idx].set(wx + params['sen_pos'][lids])  # sen_pos=True
    feat = feat.at[party_idx].set(params['party_emb'][pids])   # party nodes
    # n_steps of GATConv (DGL semantics, residual=True), mean over heads
    h = feat
    for s in range(STEPS):
        hf = (h @ params['gat%d_fc' % s]).reshape(N, H, D)
        el = jnp.sum(hf * params['gat%d_al' % s][None], axis=-1)  # [N, H]
        er = jnp.sum(hf * params['gat%d_ar' % s][None], axis=-1)
        e = el[src] + er[dst]
        e = jnp.where(e > 0, e, 0.2 * e)  # leaky_relu(0.2)
        a = _seg_softmax(e, dst, N)       # edge softmax over dst
        rst = jax.ops.segment_sum(hf[src] * a[..., None], dst, num_segments=N)
        res = (h @ params['gat%d_res' % s]).reshape(N, H, D)
        rst = rst + res + params['gat%d_b' % s].reshape(1, H, D)
        h = jnp.mean(rst, axis=1)  # mean over heads; dropout=eval identity
    # per-dialogue context attention pooling
    px = _ctx_attn(h[party_idx], seg_party, B, params['party_Wh'], params['party_bh'], params['party_wc'])
    sx = _ctx_attn(h[utt_idx], seg_utt, B, params['sen_Wh'], params['sen_bh'], params['sen_wc'])
    vx = py[:, None] @ params['v_W'] + params['v_b']  # v_past=True
    ox = jnp.concatenate([px, sx, vx], axis=-1)
    return ox @ params['out_W'] + params['out_b']


def reference(x, py, W_emb, params, src, dst, utt_idx, party_idx, pids, lids, seg_utt, seg_party):
    return _forward(params, py, x, W_emb, src, dst, utt_idx, party_idx, pids, lids, seg_utt, seg_party)

if __name__ == "__main__":
    import jax
    _d = setup_inputs()
    print(jax.jit(kernel)(*tuple(_d.values())))

</pallas_src>

<mosaic_0001>
#map = affine_map<(d0, d1) -> (0, 0)>
#map1 = affine_map<(d0, d1) -> (0)>
module attributes {stable_mosaic.version = 14 : i64} {
  func.func @gather_kernel(%arg0: i32, %arg1: i32, %arg2: memref<100000x300xf32, #tpu.memory_space<hbm>>, %arg3: memref<100000x128xf32, #tpu.memory_space<hbm>>, %arg4: memref<10240xi32, #tpu.memory_space<hbm>>, %arg5: memref<10240x256xf32, #tpu.memory_space<hbm>>, %arg6: memref<10240x128xf32, #tpu.memory_space<hbm>>, %arg7: memref<320xi32, #tpu.memory_space<vmem>>, %arg8: memref<320x256xf32, #tpu.memory_space<vmem>>, %arg9: memref<320x128xf32, #tpu.memory_space<vmem>>, %arg10: memref<!tpu.dma_semaphore, #tpu.memory_space<semaphore_mem>>, %arg11: memref<!tpu.dma_semaphore, #tpu.memory_space<semaphore_mem>>) attributes {dimension_semantics = [#tpu.dimension_semantics<core_parallel>, #tpu.dimension_semantics<subcore_parallel>], iteration_bounds = array<i64: 2, 16>, scalar_prefetch = 0 : i64, scratch_operands = 5 : i64, tpu.core_type = #tpu.core_type<sc_vector_subcore>, window_params = [{transform_indices = #map}, {transform_indices = #map}, {transform_indices = #map1}, {transform_indices = #map}, {transform_indices = #map}]} {
    %mul3A = arith.constant 2 : i32
    %mul3A_0 = arith.muli %arg1, %mul3A : i32
    %add3A = arith.addi %mul3A_0, %arg0 : i32
    %mul3A_1 = arith.constant 320 : i32
    %mul3A_2 = arith.muli %add3A, %mul3A_1 : i32
    "tpu.region"() ({
      %run_scoped3A = tpu.sem_alloc : memref<!tpu.dma_semaphore, #tpu.memory_space<semaphore_mem>>
      %dma_start3A_13 = tpu.memref_slice %arg4[%mul3A_2] : memref<10240xi32, #tpu.memory_space<hbm>> -> memref<320xi32, #tpu.memory_space<hbm>>
      %dma_start3A_14 = tpu.memref_slice %arg4[%mul3A_2] : memref<10240xi32, #tpu.memory_space<hbm>> -> memref<320xi32, #tpu.memory_space<hbm>>
      tpu.enqueue_dma source(%dma_start3A_14 : memref<320xi32, #tpu.memory_space<hbm>>) target(%arg7 : memref<320xi32, #tpu.memory_space<vmem>>) target_semaphore(%run_scoped3A : memref<!tpu.dma_semaphore, #tpu.memory_space<semaphore_mem>>)
      %dma_wait3A_15 = tpu.memref_slice %arg4[%mul3A_2] : memref<10240xi32, #tpu.memory_space<hbm>> -> memref<320xi32, #tpu.memory_space<hbm>>
      %dma_wait3A_16 = tpu.memref_slice %arg4[%mul3A_2] : memref<10240xi32, #tpu.memory_space<hbm>> -> memref<320xi32, #tpu.memory_space<hbm>>
      tpu.wait_dma2 semaphore(%run_scoped3A : memref<!tpu.dma_semaphore, #tpu.memory_space<semaphore_mem>>) src(%dma_wait3A_16 : memref<320xi32, #tpu.memory_space<hbm>>) dst(%arg7 : memref<320xi32, #tpu.memory_space<vmem>>)
      tpu.yield
    }) : () -> ()
    %dma_start3A = arith.constant 0 : i32
    %dma_start3A_3 = arith.constant 0 : i32
    %dma_start3A_4 = tpu.memref_slice %arg2[%dma_start3A, %dma_start3A_3] : memref<100000x300xf32, #tpu.memory_space<hbm>> -> memref<100000x256xf32, #tpu.memory_space<hbm>>
    tpu.enqueue_indirect_dma source(%dma_start3A_4 : memref<100000x256xf32, #tpu.memory_space<hbm>>) target(%arg8 : memref<320x256xf32, #tpu.memory_space<vmem>>) offsets(%arg7 : memref<320xi32, #tpu.memory_space<vmem>>) semaphore(%arg10 : memref<!tpu.dma_semaphore, #tpu.memory_space<semaphore_mem>>)
    %dma_start3A_5 = arith.constant 0 : i32
    %dma_start3A_6 = arith.constant 0 : i32
    %dma_start3A_7 = tpu.memref_slice %arg3[%dma_start3A_5, %dma_start3A_6] : memref<100000x128xf32, #tpu.memory_space<hbm>> -> memref<100000x128xf32, #tpu.memory_space<hbm>>
    tpu.enqueue_indirect_dma source(%dma_start3A_7 : memref<100000x128xf32, #tpu.memory_space<hbm>>) target(%arg9 : memref<320x128xf32, #tpu.memory_space<vmem>>) offsets(%arg7 : memref<320xi32, #tpu.memory_space<vmem>>) semaphore(%arg11 : memref<!tpu.dma_semaphore, #tpu.memory_space<semaphore_mem>>)
    %dma_wait3A = arith.constant 0 : i32
    %dma_wait3A_8 = arith.constant 0 : i32
    %dma_wait3A_9 = tpu.memref_slice %arg2[%dma_wait3A, %dma_wait3A_8] : memref<100000x300xf32, #tpu.memory_space<hbm>> -> memref<100000x256xf32, #tpu.memory_space<hbm>>
    tpu.wait_indirect_dma semaphore(%arg10 : memref<!tpu.dma_semaphore, #tpu.memory_space<semaphore_mem>>) src(%dma_wait3A_9 : memref<100000x256xf32, #tpu.memory_space<hbm>>) dst(%arg8 : memref<320x256xf32, #tpu.memory_space<vmem>>)
    %dma_wait3A_10 = arith.constant 0 : i32
    %dma_wait3A_11 = arith.constant 0 : i32
    %dma_wait3A_12 = tpu.memref_slice %arg3[%dma_wait3A_10, %dma_wait3A_11] : memref<100000x128xf32, #tpu.memory_space<hbm>> -> memref<100000x128xf32, #tpu.memory_space<hbm>>
    tpu.wait_indirect_dma semaphore(%arg11 : memref<!tpu.dma_semaphore, #tpu.memory_space<semaphore_mem>>) src(%dma_wait3A_12 : memref<100000x128xf32, #tpu.memory_space<hbm>>) dst(%arg9 : memref<320x128xf32, #tpu.memory_space<vmem>>)
    "tpu.region"() ({
      %run_scoped3A = tpu.sem_alloc : memref<!tpu.dma_semaphore, #tpu.memory_space<semaphore_mem>>
      %dma_start3A_13 = arith.constant 0 : i32
      %dma_start3A_14 = tpu.memref_slice %arg5[%mul3A_2, %dma_start3A_13] : memref<10240x256xf32, #tpu.memory_space<hbm>> -> memref<320x256xf32, #tpu.memory_space<hbm>>
      %dma_start3A_15 = arith.constant 0 : i32
      %dma_start3A_16 = tpu.memref_slice %arg5[%mul3A_2, %dma_start3A_15] : memref<10240x256xf32, #tpu.memory_space<hbm>> -> memref<320x256xf32, #tpu.memory_space<hbm>>
      tpu.enqueue_dma source(%arg8 : memref<320x256xf32, #tpu.memory_space<vmem>>) target(%dma_start3A_16 : memref<320x256xf32, #tpu.memory_space<hbm>>) target_semaphore(%run_scoped3A : memref<!tpu.dma_semaphore, #tpu.memory_space<semaphore_mem>>)
      %dma_wait3A_17 = arith.constant 0 : i32
      %dma_wait3A_18 = tpu.memref_slice %arg5[%mul3A_2, %dma_wait3A_17] : memref<10240x256xf32, #tpu.memory_space<hbm>> -> memref<320x256xf32, #tpu.memory_space<hbm>>
      %dma_wait3A_19 = arith.constant 0 : i32
      %dma_wait3A_20 = tpu.memref_slice %arg5[%mul3A_2, %dma_wait3A_19] : memref<10240x256xf32, #tpu.memory_space<hbm>> -> memref<320x256xf32, #tpu.memory_space<hbm>>
      tpu.wait_dma2 semaphore(%run_scoped3A : memref<!tpu.dma_semaphore, #tpu.memory_space<semaphore_mem>>) src(%arg8 : memref<320x256xf32, #tpu.memory_space<vmem>>) dst(%dma_wait3A_20 : memref<320x256xf32, #tpu.memory_space<hbm>>)
      tpu.yield
    }) : () -> ()
    "tpu.region"() ({
      %run_scoped3A = tpu.sem_alloc : memref<!tpu.dma_semaphore, #tpu.memory_space<semaphore_mem>>
      %dma_start3A_13 = arith.constant 0 : i32
      %dma_start3A_14 = tpu.memref_slice %arg6[%mul3A_2, %dma_start3A_13] : memref<10240x128xf32, #tpu.memory_space<hbm>> -> memref<320x128xf32, #tpu.memory_space<hbm>>
      %dma_start3A_15 = arith.constant 0 : i32
      %dma_start3A_16 = tpu.memref_slice %arg6[%mul3A_2, %dma_start3A_15] : memref<10240x128xf32, #tpu.memory_space<hbm>> -> memref<320x128xf32, #tpu.memory_space<hbm>>
      tpu.enqueue_dma source(%arg9 : memref<320x128xf32, #tpu.memory_space<vmem>>) target(%dma_start3A_16 : memref<320x128xf32, #tpu.memory_space<hbm>>) target_semaphore(%run_scoped3A : memref<!tpu.dma_semaphore, #tpu.memory_space<semaphore_mem>>)
      %dma_wait3A_17 = arith.constant 0 : i32
      %dma_wait3A_18 = tpu.memref_slice %arg6[%mul3A_2, %dma_wait3A_17] : memref<10240x128xf32, #tpu.memory_space<hbm>> -> memref<320x128xf32, #tpu.memory_space<hbm>>
      %dma_wait3A_19 = arith.constant 0 : i32
      %dma_wait3A_20 = tpu.memref_slice %arg6[%mul3A_2, %dma_wait3A_19] : memref<10240x128xf32, #tpu.memory_space<hbm>> -> memref<320x128xf32, #tpu.memory_space<hbm>>
      tpu.wait_dma2 semaphore(%run_scoped3A : memref<!tpu.dma_semaphore, #tpu.memory_space<semaphore_mem>>) src(%arg9 : memref<320x128xf32, #tpu.memory_space<vmem>>) dst(%dma_wait3A_20 : memref<320x128xf32, #tpu.memory_space<hbm>>)
      tpu.yield
    }) : () -> ()
    return
  }
}

module attributes {stable_mosaic.version = 14 : i64} {
  func.func @_cnn_kernel(%arg0: i32, %arg1: memref<64x20x256xf32, #tpu.memory_space<vmem>>, %arg2: memref<64x20x128xf32, #tpu.memory_space<vmem>>, %arg3: memref<256x1200xf32, #tpu.memory_space<vmem>>, %arg4: memref<128x1200xf32, #tpu.memory_space<vmem>>, %arg5: memref<1x300xf32, #tpu.memory_space<vmem>>, %arg6: memref<64x300xf32, #tpu.memory_space<vmem>>) attributes {dimension_semantics = [#tpu.dimension_semantics<arbitrary>], iteration_bounds = array<i64: 8>, scalar_prefetch = 0 : i64, scratch_operands = 0 : i64, tpu.core_type = #tpu.core_type<tc>, window_params = [{transform_indices = @transform_0, window_bounds = array<i64: 64, 20, 256>}, {transform_indices = @transform_1, window_bounds = array<i64: 64, 20, 128>}, {pipeline_mode = #tpu.pipeline_mode<synchronous>, transform_indices = @transform_2, window_bounds = array<i64: 256, 1200>}, {pipeline_mode = #tpu.pipeline_mode<synchronous>, transform_indices = @transform_3, window_bounds = array<i64: 128, 1200>}, {pipeline_mode = #tpu.pipeline_mode<synchronous>, transform_indices = @transform_4, window_bounds = array<i64: 1, 300>}, {transform_indices = @transform_5, window_bounds = array<i64: 64, 300>}]} {
    %get3A = arith.constant 0 : index
    %get3A_0 = arith.constant 0 : index
    %get3A_1 = arith.constant 0 : index
    %get3A_2 = vector.load %arg1[%get3A, %get3A_0, %get3A_1] : memref<64x20x256xf32, #tpu.memory_space<vmem>>, vector<64x20x256xf32>
    %reshape3A = vector.shape_cast %get3A_2 : vector<64x20x256xf32> to vector<1280x256xf32>
    %get3A_3 = arith.constant 0 : index
    %get3A_4 = arith.constant 0 : index
    %get3A_5 = arith.constant 0 : index
    %get3A_6 = vector.load %arg2[%get3A_3, %get3A_4, %get3A_5] : memref<64x20x128xf32, #tpu.memory_space<vmem>>, vector<64x20x128xf32>
    %reshape3A_7 = vector.shape_cast %get3A_6 : vector<64x20x128xf32> to vector<1280x128xf32>
    %get3A_8 = arith.constant 0 : index
    %get3A_9 = arith.constant 0 : index
    %get3A_10 = vector.load %arg3[%get3A_8, %get3A_9] : memref<256x1200xf32, #tpu.memory_space<vmem>>, vector<256x1200xf32>
    %dot_general3A = arith.constant dense<0.000000e+00> : vector<1280x1200xf32>
    %dot_general3A_11 = tpu.matmul %reshape3A, %get3A_10, %dot_general3A {dimension_numbers = #tpu.dot_dimension_numbers<[1], [0], [0], [1], [0, 0, 1, 1], [], []>, transpose_lhs_hint = false} : vector<1280x256xf32>, vector<256x1200xf32>, vector<1280x1200xf32> -> vector<1280x1200xf32>
    %get3A_12 = arith.constant 0 : index
    %get3A_13 = arith.constant 0 : index
    %get3A_14 = vector.load %arg4[%get3A_12, %get3A_13] : memref<128x1200xf32, #tpu.memory_space<vmem>>, vector<128x1200xf32>
    %dot_general3A_15 = arith.constant dense<0.000000e+00> : vector<1280x1200xf32>
    %dot_general3A_16 = tpu.matmul %reshape3A_7, %get3A_14, %dot_general3A_15 {dimension_numbers = #tpu.dot_dimension_numbers<[1], [0], [0], [1], [0, 0, 1, 1], [], []>, transpose_lhs_hint = false} : vector<1280x128xf32>, vector<128x1200xf32>, vector<1280x1200xf32> -> vector<1280x1200xf32>
    %add3A = arith.addf %dot_general3A_11, %dot_general3A_16 : vector<1280x1200xf32>
    %reshape3A_17 = vector.shape_cast %add3A : vector<1280x1200xf32> to vector<64x20x1200xf32>
    %slice3A = vector.extract_strided_slice %reshape3A_17 {offsets = [0, 0, 0], sizes = [64, 18, 100], strides = [1, 1, 1]} : vector<64x20x1200xf32> to vector<64x18x100xf32>
    %slice3A_18 = vector.extract_strided_slice %reshape3A_17 {offsets = [0, 1, 100], sizes = [64, 18, 100], strides = [1, 1, 1]} : vector<64x20x1200xf32> to vector<64x18x100xf32>
    %add3A_19 = arith.addf %slice3A, %slice3A_18 : vector<64x18x100xf32>
    %slice3A_20 = vector.extract_strided_slice %reshape3A_17 {offsets = [0, 2, 200], sizes = [64, 18, 100], strides = [1, 1, 1]} : vector<64x20x1200xf32> to vector<64x18x100xf32>
    %add3A_21 = arith.addf %add3A_19, %slice3A_20 : vector<64x18x100xf32>
    %slice3A_22 = vector.extract_strided_slice %reshape3A_17 {offsets = [0, 0, 300], sizes = [64, 17, 100], strides = [1, 1, 1]} : vector<64x20x1200xf32> to vector<64x17x100xf32>
    %slice3A_23 = vector.extract_strided_slice %reshape3A_17 {offsets = [0, 1, 400], sizes = [64, 17, 100], strides = [1, 1, 1]} : vector<64x20x1200xf32> to vector<64x17x100xf32>
    %add3A_24 = arith.addf %slice3A_22, %slice3A_23 : vector<64x17x100xf32>
    %slice3A_25 = vector.extract_strided_slice %reshape3A_17 {offsets = [0, 2, 500], sizes = [64, 17, 100], strides = [1, 1, 1]} : vector<64x20x1200xf32> to vector<64x17x100xf32>
    %add3A_26 = arith.addf %add3A_24, %slice3A_25 : vector<64x17x100xf32>
    %slice3A_27 = vector.extract_strided_slice %reshape3A_17 {offsets = [0, 3, 600], sizes = [64, 17, 100], strides = [1, 1, 1]} : vector<64x20x1200xf32> to vector<64x17x100xf32>
    %add3A_28 = arith.addf %add3A_26, %slice3A_27 : vector<64x17x100xf32>
    %slice3A_29 = vector.extract_strided_slice %reshape3A_17 {offsets = [0, 0, 700], sizes = [64, 16, 100], strides = [1, 1, 1]} : vector<64x20x1200xf32> to vector<64x16x100xf32>
    %slice3A_30 = vector.extract_strided_slice %reshape3A_17 {offsets = [0, 1, 800], sizes = [64, 16, 100], strides = [1, 1, 1]} : vector<64x20x1200xf32> to vector<64x16x100xf32>
    %add3A_31 = arith.addf %slice3A_29, %slice3A_30 : vector<64x16x100xf32>
    %slice3A_32 = vector.extract_strided_slice %reshape3A_17 {offsets = [0, 2, 900], sizes = [64, 16, 100], strides = [1, 1, 1]} : vector<64x20x1200xf32> to vector<64x16x100xf32>
    %add3A_33 = arith.addf %add3A_31, %slice3A_32 : vector<64x16x100xf32>
    %slice3A_34 = vector.extract_strided_slice %reshape3A_17 {offsets = [0, 3, 1000], sizes = [64, 16, 100], strides = [1, 1, 1]} : vector<64x20x1200xf32> to vector<64x16x100xf32>
    %add3A_35 = arith.addf %add3A_33, %slice3A_34 : vector<64x16x100xf32>
    %slice3A_36 = vector.extract_strided_slice %reshape3A_17 {offsets = [0, 4, 1100], sizes = [64, 16, 100], strides = [1, 1, 1]} : vector<64x20x1200xf32> to vector<64x16x100xf32>
    %add3A_37 = arith.addf %add3A_35, %slice3A_36 : vector<64x16x100xf32>
    %reduce_max3A = arith.constant dense<0xFF800000> : vector<64x100xf32>
    %reduce_max3A_38 = vector.multi_reduction <maximumf>, %add3A_21, %reduce_max3A [1] : vector<64x18x100xf32> to vector<64x100xf32>
    %reduce_max3A_39 = arith.constant dense<0xFF800000> : vector<64x100xf32>
    %reduce_max3A_40 = vector.multi_reduction <maximumf>, %add3A_28, %reduce_max3A_39 [1] : vector<64x17x100xf32> to vector<64x100xf32>
    %reduce_max3A_41 = arith.constant dense<0xFF800000> : vector<64x100xf32>
    %reduce_max3A_42 = vector.multi_reduction <maximumf>, %add3A_37, %reduce_max3A_41 [1] : vector<64x16x100xf32> to vector<64x100xf32>
    %concatenate3A = tpu.concatenate %reduce_max3A_38, %reduce_max3A_40, %reduce_max3A_42 in 1 : vector<64x100xf32>, vector<64x100xf32>, vector<64x100xf32> -> vector<64x300xf32>
    %get3A_43 = arith.constant 0 : index
    %get3A_44 = arith.constant 0 : index
    %get3A_45 = vector.load %arg5[%get3A_43, %get3A_44] : memref<1x300xf32, #tpu.memory_space<vmem>>, vector<1x300xf32>
    %add3A_46 = vector.broadcast %get3A_45 : vector<1x300xf32> to vector<64x300xf32>
    %add3A_47 = arith.addf %concatenate3A, %add3A_46 : vector<64x300xf32>
    %swap3A = arith.constant 0 : index
    %swap3A_48 = arith.constant 0 : index
    %swap3A_49 = vector.load %arg6[%swap3A, %swap3A_48] : memref<64x300xf32, #tpu.memory_space<vmem>>, vector<64x300xf32>
    tpu.vector_store %arg6[%swap3A, %swap3A_48], %add3A_47 {strides = array<i32>} : memref<64x300xf32, #tpu.memory_space<vmem>>, vector<64x300xf32>,
    return
  }
  func.func @transform_0(%arg0: i32) -> (i32, i32, i32) {
    %c0_i32 = arith.constant 0 : i32
    %c0_i32_0 = arith.constant 0 : i32
    %c0_i32_1 = arith.constant 0 : i32
    return %arg0, %c0_i32, %c0_i32_0 : i32, i32, i32
  }
  func.func @transform_1(%arg0: i32) -> (i32, i32, i32) {
    %c0_i32 = arith.constant 0 : i32
    %c0_i32_0 = arith.constant 0 : i32
    %c0_i32_1 = arith.constant 0 : i32
    return %arg0, %c0_i32, %c0_i32_0 : i32, i32, i32
  }
  func.func @transform_2(%arg0: i32) -> (i32, i32) {
    %c0_i32 = arith.constant 0 : i32
    %c0_i32_0 = arith.constant 0 : i32
    %c0_i32_1 = arith.constant 0 : i32
    return %c0_i32, %c0_i32_0 : i32, i32
  }
  func.func @transform_3(%arg0: i32) -> (i32, i32) {
    %c0_i32 = arith.constant 0 : i32
    %c0_i32_0 = arith.constant 0 : i32
    %c0_i32_1 = arith.constant 0 : i32
    return %c0_i32, %c0_i32_0 : i32, i32
  }
  func.func @transform_4(%arg0: i32) -> (i32, i32) {
    %c0_i32 = arith.constant 0 : i32
    %c0_i32_0 = arith.constant 0 : i32
    %c0_i32_1 = arith.constant 0 : i32
    return %c0_i32, %c0_i32_0 : i32, i32
  }
  func.func @transform_5(%arg0: i32) -> (i32, i32) {
    %c0_i32 = arith.constant 0 : i32
    %c0_i32_0 = arith.constant 0 : i32
    return %arg0, %c0_i32 : i32, i32
  }
}

module attributes {stable_mosaic.version = 14 : i64} {
  func.func @_graph_kernel(%arg0: memref<512x300xf32, #tpu.memory_space<vmem>>, %arg1: memref<512x300xf32, #tpu.memory_space<vmem>>, %arg2: memref<32x300xf32, #tpu.memory_space<vmem>>, %arg3: memref<544x544xf32, #tpu.memory_space<vmem>>, %arg4: memref<300x1500xf32, #tpu.memory_space<vmem>>, %arg5: memref<300x5xf32, #tpu.memory_space<vmem>>, %arg6: memref<300x5xf32, #tpu.memory_space<vmem>>, %arg7: memref<300x300xf32, #tpu.memory_space<vmem>>, %arg8: memref<1x300xf32, #tpu.memory_space<vmem>>, %arg9: memref<300x1500xf32, #tpu.memory_space<vmem>>, %arg10: memref<300x5xf32, #tpu.memory_space<vmem>>, %arg11: memref<300x5xf32, #tpu.memory_space<vmem>>, %arg12: memref<300x300xf32, #tpu.memory_space<vmem>>, %arg13: memref<1x300xf32, #tpu.memory_space<vmem>>, %arg14: memref<300x300xf32, #tpu.memory_space<vmem>>, %arg15: memref<1x300xf32, #tpu.memory_space<vmem>>, %arg16: memref<1x300xf32, #tpu.memory_space<vmem>>, %arg17: memref<300x300xf32, #tpu.memory_space<vmem>>, %arg18: memref<1x300xf32, #tpu.memory_space<vmem>>, %arg19: memref<1x300xf32, #tpu.memory_space<vmem>>, %arg20: memref<8x32xf32, #tpu.memory_space<vmem>>, %arg21: memref<8x512xf32, #tpu.memory_space<vmem>>, %arg22: memref<8x1xf32, #tpu.memory_space<vmem>>, %arg23: memref<1x300xf32, #tpu.memory_space<vmem>>, %arg24: memref<1x300xf32, #tpu.memory_space<vmem>>, %arg25: memref<900x1xf32, #tpu.memory_space<vmem>>, %arg26: memref<1x1xf32, #tpu.memory_space<vmem>>, %arg27: memref<8x1xf32, #tpu.memory_space<vmem>>) attributes {dimension_semantics = [], scalar_prefetch = 0 : i64, scratch_operands = 0 : i64, tpu.core_type = #tpu.core_type<tc>} {
    %get3A = arith.constant 0 : index
    %get3A_0 = arith.constant 0 : index
    %get3A_1 = vector.load %arg3[%get3A, %get3A_0] : memref<544x544xf32, #tpu.memory_space<vmem>>, vector<544x544xf32>
    %get3A_2 = arith.constant 0 : index
    %get3A_3 = arith.constant 0 : index
    %get3A_4 = vector.load %arg0[%get3A_2, %get3A_3] : memref<512x300xf32, #tpu.memory_space<vmem>>, vector<512x300xf32>
    %get3A_5 = arith.constant 0 : index
    %get3A_6 = arith.constant 0 : index
    %get3A_7 = vector.load %arg1[%get3A_5, %get3A_6] : memref<512x300xf32, #tpu.memory_space<vmem>>, vector<512x300xf32>
    %add3A = arith.addf %get3A_4, %get3A_7 : vector<512x300xf32>
    %reshape3A = vector.shape_cast %add3A : vector<512x300xf32> to vector<8x64x300xf32>
    %get3A_8 = arith.constant 0 : index
    %get3A_9 = arith.constant 0 : index
    %get3A_10 = vector.load %arg2[%get3A_8, %get3A_9] : memref<32x300xf32, #tpu.memory_space<vmem>>, vector<32x300xf32>
    %reshape3A_11 = vector.shape_cast %get3A_10 : vector<32x300xf32> to vector<8x4x300xf32>
    %concatenate3A = tpu.concatenate %reshape3A, %reshape3A_11 in 1 : vector<8x64x300xf32>, vector<8x4x300xf32> -> vector<8x68x300xf32>
    %reshape3A_12 = vector.shape_cast %concatenate3A : vector<8x68x300xf32> to vector<544x300xf32>
    %get3A_13 = arith.constant 0 : index
    %get3A_14 = arith.constant 0 : index
    %get3A_15 = vector.load %arg4[%get3A_13, %get3A_14] : memref<300x1500xf32, #tpu.memory_space<vmem>>, vector<300x1500xf32>
    %dot_general3A = arith.constant dense<0.000000e+00> : vector<544x1500xf32>
    %dot_general3A_16 = tpu.matmul %reshape3A_12, %get3A_15, %dot_general3A {dimension_numbers = #tpu.dot_dimension_numbers<[1], [0], [0], [1], [0, 0, 1, 1], [], []>, transpose_lhs_hint = false} : vector<544x300xf32>, vector<300x1500xf32>, vector<544x1500xf32> -> vector<544x1500xf32>
    %get3A_17 = arith.constant 0 : index
    %get3A_18 = arith.constant 0 : index
    %get3A_19 = vector.load %arg7[%get3A_17, %get3A_18] : memref<300x300xf32, #tpu.memory_space<vmem>>, vector<300x300xf32>
    %dot_general3A_20 = arith.constant dense<0.000000e+00> : vector<544x300xf32>
    %dot_general3A_21 = tpu.matmul %reshape3A_12, %get3A_19, %dot_general3A_20 {dimension_numbers = #tpu.dot_dimension_numbers<[1], [0], [0], [1], [0, 0, 1, 1], [], []>, transpose_lhs_hint = false} : vector<544x300xf32>, vector<300x300xf32>, vector<544x300xf32> -> vector<544x300xf32>
    %get3A_22 = arith.constant 0 : index
    %get3A_23 = arith.constant 0 : index
    %get3A_24 = vector.load %arg8[%get3A_22, %get3A_23] : memref<1x300xf32, #tpu.memory_space<vmem>>, vector<1x300xf32>
    %add3A_25 = vector.broadcast %get3A_24 : vector<1x300xf32> to vector<544x300xf32>
    %add3A_26 = arith.addf %dot_general3A_21, %add3A_25 : vector<544x300xf32>
    %slice3A = vector.extract_strided_slice %dot_general3A_16 {offsets = [0, 0], sizes = [544, 300], strides = [1, 1]} : vector<544x1500xf32> to vector<544x300xf32>
    %get3A_27 = arith.constant 0 : index
    %get3A_28 = arith.constant 0 : index
    %get3A_29 = vector.load %arg6[%get3A_27, %get3A_28] : memref<300x5xf32, #tpu.memory_space<vmem>>, vector<300x5xf32>
    %slice3A_30 = vector.extract_strided_slice %get3A_29 {offsets = [0, 0], sizes = [300, 1], strides = [1, 1]} : vector<300x5xf32> to vector<300x1xf32>
    %dot_general3A_31 = arith.constant dense<0.000000e+00> : vector<544x1xf32>
    %dot_general3A_32 = tpu.matmul %slice3A, %slice3A_30, %dot_general3A_31 {dimension_numbers = #tpu.dot_dimension_numbers<[1], [0], [0], [1], [0, 0, 1, 1], [], []>, transpose_lhs_hint = false} : vector<544x300xf32>, vector<300x1xf32>, vector<544x1xf32> -> vector<544x1xf32>
    %get3A_33 = arith.constant 0 : index
    %get3A_34 = arith.constant 0 : index
    %get3A_35 = vector.load %arg5[%get3A_33, %get3A_34] : memref<300x5xf32, #tpu.memory_space<vmem>>, vector<300x5xf32>
    %slice3A_36 = vector.extract_strided_slice %get3A_35 {offsets = [0, 0], sizes = [300, 1], strides = [1, 1]} : vector<300x5xf32> to vector<300x1xf32>
    %dot_general3A_37 = arith.constant dense<0.000000e+00> : vector<1x544xf32>
    %dot_general3A_38 = tpu.matmul %slice3A_36, %slice3A, %dot_general3A_37 {dimension_numbers = #tpu.dot_dimension_numbers<[0], [1], [1], [0], [0, 1, 1, 0], [], []>, transpose_lhs_hint = false} : vector<300x1xf32>, vector<544x300xf32>, vector<1x544xf32> -> vector<1x544xf32>
    %add3A_39 = vector.broadcast %dot_general3A_32 : vector<544x1xf32> to vector<544x544xf32>
    %add3A_40 = vector.broadcast %dot_general3A_38 : vector<1x544xf32> to vector<544x544xf32>
    %add3A_41 = arith.addf %add3A_39, %add3A_40 : vector<544x544xf32>
    %gt3A = arith.constant 0.000000e+00 : f32
    %gt3A_42 = vector.broadcast %gt3A : f32 to vector<544x544xf32>
    %gt3A_43 = arith.cmpf ogt, %add3A_41, %gt3A_42 : vector<544x544xf32>
    %mul3A = arith.constant 2.000000e-01 : f32
    %mul3A_44 = vector.broadcast %mul3A : f32 to vector<544x544xf32>
    %mul3A_45 = arith.mulf %mul3A_44, %add3A_41 : vector<544x544xf32>
    %select_n3A = arith.select %gt3A_43, %add3A_41, %mul3A_45 : vector<544x544xi1>, vector<544x544xf32>
    %gt3A_46 = arith.constant 0.000000e+00 : f32
    %gt3A_47 = vector.broadcast %gt3A_46 : f32 to vector<544x544xf32>
    %gt3A_48 = arith.cmpf ogt, %get3A_1, %gt3A_47 : vector<544x544xf32>
    %jit3A = arith.constant -1.000000e+30 : f32
    %broadcast_in_dim3A = vector.broadcast %jit3A : f32 to vector<544x544xf32>
    %select_n3A_49 = arith.select %gt3A_48, %select_n3A, %broadcast_in_dim3A : vector<544x544xi1>, vector<544x544xf32>
    %reduce_max3A = arith.constant dense<0xFF800000> : vector<544xf32>
    %reduce_max3A_50 = vector.multi_reduction <maximumf>, %select_n3A_49, %reduce_max3A [1] : vector<544x544xf32> to vector<544xf32>
    %broadcast_in_dim3A_51 = vector.shape_cast %reduce_max3A_50 : vector<544xf32> to vector<544x1xf32>
    %sub3A = vector.broadcast %broadcast_in_dim3A_51 : vector<544x1xf32> to vector<544x544xf32>
    %sub3A_52 = arith.subf %select_n3A_49, %sub3A : vector<544x544xf32>
    %exp3A = math.exp %sub3A_52 : vector<544x544xf32>
    %mul3A_53 = arith.mulf %exp3A, %get3A_1 : vector<544x544xf32>
    %reduce_sum3A = arith.constant dense<0.000000e+00> : vector<544xf32>
    %reduce_sum3A_54 = vector.multi_reduction <add>, %mul3A_53, %reduce_sum3A [1] : vector<544x544xf32> to vector<544xf32>
    %broadcast_in_dim3A_55 = vector.shape_cast %reduce_sum3A_54 : vector<544xf32> to vector<544x1xf32>
    %add3A_56 = arith.constant 1.000000e-16 : f32
    %add3A_57 = vector.broadcast %add3A_56 : f32 to vector<544x1xf32>
    %add3A_58 = arith.addf %broadcast_in_dim3A_55, %add3A_57 : vector<544x1xf32>
    %div3A = vector.broadcast %add3A_58 : vector<544x1xf32> to vector<544x544xf32>
    %div3A_59 = arith.divf %mul3A_53, %div3A : vector<544x544xf32>
    %dot_general3A_60 = arith.constant dense<0.000000e+00> : vector<544x300xf32>
    %dot_general3A_61 = tpu.matmul %div3A_59, %slice3A, %dot_general3A_60 {dimension_numbers = #tpu.dot_dimension_numbers<[1], [0], [0], [1], [0, 0, 1, 1], [], []>, transpose_lhs_hint = false} : vector<544x544xf32>, vector<544x300xf32>, vector<544x300xf32> -> vector<544x300xf32>
    %add3A_62 = arith.addf %add3A_26, %dot_general3A_61 : vector<544x300xf32>
    %slice3A_63 = vector.extract_strided_slice %dot_general3A_16 {offsets = [0, 300], sizes = [544, 300], strides = [1, 1]} : vector<544x1500xf32> to vector<544x300xf32>
    %get3A_64 = arith.constant 0 : index
    %get3A_65 = arith.constant 0 : index
    %get3A_66 = vector.load %arg6[%get3A_64, %get3A_65] : memref<300x5xf32, #tpu.memory_space<vmem>>, vector<300x5xf32>
    %slice3A_67 = vector.extract_strided_slice %get3A_66 {offsets = [0, 1], sizes = [300, 1], strides = [1, 1]} : vector<300x5xf32> to vector<300x1xf32>
    %dot_general3A_68 = arith.constant dense<0.000000e+00> : vector<544x1xf32>
    %dot_general3A_69 = tpu.matmul %slice3A_63, %slice3A_67, %dot_general3A_68 {dimension_numbers = #tpu.dot_dimension_numbers<[1], [0], [0], [1], [0, 0, 1, 1], [], []>, transpose_lhs_hint = false} : vector<544x300xf32>, vector<300x1xf32>, vector<544x1xf32> -> vector<544x1xf32>
    %get3A_70 = arith.constant 0 : index
    %get3A_71 = arith.constant 0 : index
    %get3A_72 = vector.load %arg5[%get3A_70, %get3A_71] : memref<300x5xf32, #tpu.memory_space<vmem>>, vector<300x5xf32>
    %slice3A_73 = vector.extract_strided_slice %get3A_72 {offsets = [0, 1], sizes = [300, 1], strides = [1, 1]} : vector<300x5xf32> to vector<300x1xf32>
    %dot_general3A_74 = arith.constant dense<0.000000e+00> : vector<1x544xf32>
    %dot_general3A_75 = tpu.matmul %slice3A_73, %slice3A_63, %dot_general3A_74 {dimension_numbers = #tpu.dot_dimension_numbers<[0], [1], [1], [0], [0, 1, 1, 0], [], []>, transpose_lhs_hint = false} : vector<300x1xf32>, vector<544x300xf32>, vector<1x544xf32> -> vector<1x544xf32>
    %add3A_76 = vector.broadcast %dot_general3A_69 : vector<544x1xf32> to vector<544x544xf32>
    %add3A_77 = vector.broadcast %dot_general3A_75 : vector<1x544xf32> to vector<544x544xf32>
    %add3A_78 = arith.addf %add3A_76, %add3A_77 : vector<544x544xf32>
    %gt3A_79 = arith.constant 0.000000e+00 : f32
    %gt3A_80 = vector.broadcast %gt3A_79 : f32 to vector<544x544xf32>
    %gt3A_81 = arith.cmpf ogt, %add3A_78, %gt3A_80 : vector<544x544xf32>
    %mul3A_82 = arith.constant 2.000000e-01 : f32
    %mul3A_83 = vector.broadcast %mul3A_82 : f32 to vector<544x544xf32>
    %mul3A_84 = arith.mulf %mul3A_83, %add3A_78 : vector<544x544xf32>
    %select_n3A_85 = arith.select %gt3A_81, %add3A_78, %mul3A_84 : vector<544x544xi1>, vector<544x544xf32>
    %gt3A_86 = arith.constant 0.000000e+00 : f32
    %gt3A_87 = vector.broadcast %gt3A_86 : f32 to vector<544x544xf32>
    %gt3A_88 = arith.cmpf ogt, %get3A_1, %gt3A_87 : vector<544x544xf32>
    %jit3A_89 = arith.constant -1.000000e+30 : f32
    %broadcast_in_dim3A_90 = vector.broadcast %jit3A_89 : f32 to vector<544x544xf32>
    %select_n3A_91 = arith.select %gt3A_88, %select_n3A_85, %broadcast_in_dim3A_90 : vector<544x544xi1>, vector<544x544xf32>
    %reduce_max3A_92 = arith.constant dense<0xFF800000> : vector<544xf32>
    %reduce_max3A_93 = vector.multi_reduction <maximumf>, %select_n3A_91, %reduce_max3A_92 [1] : vector<544x544xf32> to vector<544xf32>
    %broadcast_in_dim3A_94 = vector.shape_cast %reduce_max3A_93 : vector<544xf32> to vector<544x1xf32>
    %sub3A_95 = vector.broadcast %broadcast_in_dim3A_94 : vector<544x1xf32> to vector<544x544xf32>
    %sub3A_96 = arith.subf %select_n3A_91, %sub3A_95 : vector<544x544xf32>
    %exp3A_97 = math.exp %sub3A_96 : vector<544x544xf32>
    %mul3A_98 = arith.mulf %exp3A_97, %get3A_1 : vector<544x544xf32>
    %reduce_sum3A_99 = arith.constant dense<0.000000e+00> : vector<544xf32>
    %reduce_sum3A_100 = vector.multi_reduction <add>, %mul3A_98, %reduce_sum3A_99 [1] : vector<544x544xf32> to vector<544xf32>
    %broadcast_in_dim3A_101 = vector.shape_cast %reduce_sum3A_100 : vector<544xf32> to vector<544x1xf32>
    %add3A_102 = arith.constant 1.000000e-16 : f32
    %add3A_103 = vector.broadcast %add3A_102 : f32 to vector<544x1xf32>
    %add3A_104 = arith.addf %broadcast_in_dim3A_101, %add3A_103 : vector<544x1xf32>
    %div3A_105 = vector.broadcast %add3A_104 : vector<544x1xf32> to vector<544x544xf32>
    %div3A_106 = arith.divf %mul3A_98, %div3A_105 : vector<544x544xf32>
    %dot_general3A_107 = arith.constant dense<0.000000e+00> : vector<544x300xf32>
    %dot_general3A_108 = tpu.matmul %div3A_106, %slice3A_63, %dot_general3A_107 {dimension_numbers = #tpu.dot_dimension_numbers<[1], [0], [0], [1], [0, 0, 1, 1], [], []>, transpose_lhs_hint = false} : vector<544x544xf32>, vector<544x300xf32>, vector<544x300xf32> -> vector<544x300xf32>
    %add3A_109 = arith.addf %add3A_62, %dot_general3A_108 : vector<544x300xf32>
    %slice3A_110 = vector.extract_strided_slice %dot_general3A_16 {offsets = [0, 600], sizes = [544, 300], strides = [1, 1]} : vector<544x1500xf32> to vector<544x300xf32>
    %get3A_111 = arith.constant 0 : index
    %get3A_112 = arith.constant 0 : index
    %get3A_113 = vector.load %arg6[%get3A_111, %get3A_112] : memref<300x5xf32, #tpu.memory_space<vmem>>, vector<300x5xf32>
    %slice3A_114 = vector.extract_strided_slice %get3A_113 {offsets = [0, 2], sizes = [300, 1], strides = [1, 1]} : vector<300x5xf32> to vector<300x1xf32>
    %dot_general3A_115 = arith.constant dense<0.000000e+00> : vector<544x1xf32>
    %dot_general3A_116 = tpu.matmul %slice3A_110, %slice3A_114, %dot_general3A_115 {dimension_numbers = #tpu.dot_dimension_numbers<[1], [0], [0], [1], [0, 0, 1, 1], [], []>, transpose_lhs_hint = false} : vector<544x300xf32>, vector<300x1xf32>, vector<544x1xf32> -> vector<544x1xf32>
    %get3A_117 = arith.constant 0 : index
    %get3A_118 = arith.constant 0 : index
    %get3A_119 = vector.load %arg5[%get3A_117, %get3A_118] : memref<300x5xf32, #tpu.memory_space<vmem>>, vector<300x5xf32>
    %slice3A_120 = vector.extract_strided_slice %get3A_119 {offsets = [0, 2], sizes = [300, 1], strides = [1, 1]} : vector<300x5xf32> to vector<300x1xf32>
    %dot_general3A_121 = arith.constant dense<0.000000e+00> : vector<1x544xf32>
    %dot_general3A_122 = tpu.matmul %slice3A_120, %slice3A_110, %dot_general3A_121 {dimension_numbers = #tpu.dot_dimension_numbers<[0], [1], [1], [0], [0, 1, 1, 0], [], []>, transpose_lhs_hint = false} : vector<300x1xf32>, vector<544x300xf32>, vector<1x544xf32> -> vector<1x544xf32>
    %add3A_123 = vector.broadcast %dot_general3A_116 : vector<544x1xf32> to vector<544x544xf32>
    %add3A_124 = vector.broadcast %dot_general3A_122 : vector<1x544xf32> to vector<544x544xf32>
    %add3A_125 = arith.addf %add3A_123, %add3A_124 : vector<544x544xf32>
    %gt3A_126 = arith.constant 0.000000e+00 : f32
    %gt3A_127 = vector.broadcast %gt3A_126 : f32 to vector<544x544xf32>
    %gt3A_128 = arith.cmpf ogt, %add3A_125, %gt3A_127 : vector<544x544xf32>
    %mul3A_129 = arith.constant 2.000000e-01 : f32
    %mul3A_130 = vector.broadcast %mul3A_129 : f32 to vector<544x544xf32>
    %mul3A_131 = arith.mulf %mul3A_130, %add3A_125 : vector<544x544xf32>
    %select_n3A_132 = arith.select %gt3A_128, %add3A_125, %mul3A_131 : vector<544x544xi1>, vector<544x544xf32>
    %gt3A_133 = arith.constant 0.000000e+00 : f32
    %gt3A_134 = vector.broadcast %gt3A_133 : f32 to vector<544x544xf32>
    %gt3A_135 = arith.cmpf ogt, %get3A_1, %gt3A_134 : vector<544x544xf32>
    %jit3A_136 = arith.constant -1.000000e+30 : f32
    %broadcast_in_dim3A_137 = vector.broadcast %jit3A_136 : f32 to vector<544x544xf32>
    %select_n3A_138 = arith.select %gt3A_135, %select_n3A_132, %broadcast_in_dim3A_137 : vector<544x544xi1>, vector<544x544xf32>
    %reduce_max3A_139 = arith.constant dense<0xFF800000> : vector<544xf32>
    %reduce_max3A_140 = vector.multi_reduction <maximumf>, %select_n3A_138, %reduce_max3A_139 [1] : vector<544x544xf32> to vector<544xf32>
    %broadcast_in_dim3A_141 = vector.shape_cast %reduce_max3A_140 : vector<544xf32> to vector<544x1xf32>
    %sub3A_142 = vector.broadcast %broadcast_in_dim3A_141 : vector<544x1xf32> to vector<544x544xf32>
    %sub3A_143 = arith.subf %select_n3A_138, %sub3A_142 : vector<544x544xf32>
    %exp3A_144 = math.exp %sub3A_143 : vector<544x544xf32>
    %mul3A_145 = arith.mulf %exp3A_144, %get3A_1 : vector<544x544xf32>
    %reduce_sum3A_146 = arith.constant dense<0.000000e+00> : vector<544xf32>
    %reduce_sum3A_147 = vector.multi_reduction <add>, %mul3A_145, %reduce_sum3A_146 [1] : vector<544x544xf32> to vector<544xf32>
    %broadcast_in_dim3A_148 = vector.shape_cast %reduce_sum3A_147 : vector<544xf32> to vector<544x1xf32>
    %add3A_149 = arith.constant 1.000000e-16 : f32
    %add3A_150 = vector.broadcast %add3A_149 : f32 to vector<544x1xf32>
    %add3A_151 = arith.addf %broadcast_in_dim3A_148, %add3A_150 : vector<544x1xf32>
    %div3A_152 = vector.broadcast %add3A_151 : vector<544x1xf32> to vector<544x544xf32>
    %div3A_153 = arith.divf %mul3A_145, %div3A_152 : vector<544x544xf32>
    %dot_general3A_154 = arith.constant dense<0.000000e+00> : vector<544x300xf32>
    %dot_general3A_155 = tpu.matmul %div3A_153, %slice3A_110, %dot_general3A_154 {dimension_numbers = #tpu.dot_dimension_numbers<[1], [0], [0], [1], [0, 0, 1, 1], [], []>, transpose_lhs_hint = false} : vector<544x544xf32>, vector<544x300xf32>, vector<544x300xf32> -> vector<544x300xf32>
    %add3A_156 = arith.addf %add3A_109, %dot_general3A_155 : vector<544x300xf32>
    %slice3A_157 = vector.extract_strided_slice %dot_general3A_16 {offsets = [0, 900], sizes = [544, 300], strides = [1, 1]} : vector<544x1500xf32> to vector<544x300xf32>
    %get3A_158 = arith.constant 0 : index
    %get3A_159 = arith.constant 0 : index
    %get3A_160 = vector.load %arg6[%get3A_158, %get3A_159] : memref<300x5xf32, #tpu.memory_space<vmem>>, vector<300x5xf32>
    %slice3A_161 = vector.extract_strided_slice %get3A_160 {offsets = [0, 3], sizes = [300, 1], strides = [1, 1]} : vector<300x5xf32> to vector<300x1xf32>
    %dot_general3A_162 = arith.constant dense<0.000000e+00> : vector<544x1xf32>
    %dot_general3A_163 = tpu.matmul %slice3A_157, %slice3A_161, %dot_general3A_162 {dimension_numbers = #tpu.dot_dimension_numbers<[1], [0], [0], [1], [0, 0, 1, 1], [], []>, transpose_lhs_hint = false} : vector<544x300xf32>, vector<300x1xf32>, vector<544x1xf32> -> vector<544x1xf32>
    %get3A_164 = arith.constant 0 : index
    %get3A_165 = arith.constant 0 : index
    %get3A_166 = vector.load %arg5[%get3A_164, %get3A_165] : memref<300x5xf32, #tpu.memory_space<vmem>>, vector<300x5xf32>
    %slice3A_167 = vector.extract_strided_slice %get3A_166 {offsets = [0, 3], sizes = [300, 1], strides = [1, 1]} : vector<300x5xf32> to vector<300x1xf32>
    %dot_general3A_168 = arith.constant dense<0.000000e+00> : vector<1x544xf32>
    %dot_general3A_169 = tpu.matmul %slice3A_167, %slice3A_157, %dot_general3A_168 {dimension_numbers = #tpu.dot_dimension_numbers<[0], [1], [1], [0], [0, 1, 1, 0], [], []>, transpose_lhs_hint = false} : vector<300x1xf32>, vector<544x300xf32>, vector<1x544xf32> -> vector<1x544xf32>
    %add3A_170 = vector.broadcast %dot_general3A_163 : vector<544x1xf32> to vector<544x544xf32>
    %add3A_171 = vector.broadcast %dot_general3A_169 : vector<1x544xf32> to vector<544x544xf32>
    %add3A_172 = arith.addf %add3A_170, %add3A_171 : vector<544x544xf32>
    %gt3A_173 = arith.constant 0.000000e+00 : f32
    %gt3A_174 = vector.broadcast %gt3A_173 : f32 to vector<544x544xf32>
    %gt3A_175 = arith.cmpf ogt, %add3A_172, %gt3A_174 : vector<544x544xf32>
    %mul3A_176 = arith.constant 2.000000e-01 : f32
    %mul3A_177 = vector.broadcast %mul3A_176 : f32 to vector<544x544xf32>
    %mul3A_178 = arith.mulf %mul3A_177, %add3A_172 : vector<544x544xf32>
    %select_n3A_179 = arith.select %gt3A_175, %add3A_172, %mul3A_178 : vector<544x544xi1>, vector<544x544xf32>
    %gt3A_180 = arith.constant 0.000000e+00 : f32
    %gt3A_181 = vector.broadcast %gt3A_180 : f32 to vector<544x544xf32>
    %gt3A_182 = arith.cmpf ogt, %get3A_1, %gt3A_181 : vector<544x544xf32>
    %jit3A_183 = arith.constant -1.000000e+30 : f32
    %broadcast_in_dim3A_184 = vector.broadcast %jit3A_183 : f32 to vector<544x544xf32>
    %select_n3A_185 = arith.select %gt3A_182, %select_n3A_179, %broadcast_in_dim3A_184 : vector<544x544xi1>, vector<544x544xf32>
    %reduce_max3A_186 = arith.constant dense<0xFF800000> : vector<544xf32>
    %reduce_max3A_187 = vector.multi_reduction <maximumf>, %select_n3A_185, %reduce_max3A_186 [1] : vector<544x544xf32> to vector<544xf32>
    %broadcast_in_dim3A_188 = vector.shape_cast %reduce_max3A_187 : vector<544xf32> to vector<544x1xf32>
    %sub3A_189 = vector.broadcast %broadcast_in_dim3A_188 : vector<544x1xf32> to vector<544x544xf32>
    %sub3A_190 = arith.subf %select_n3A_185, %sub3A_189 : vector<544x544xf32>
    %exp3A_191 = math.exp %sub3A_190 : vector<544x544xf32>
    %mul3A_192 = arith.mulf %exp3A_191, %get3A_1 : vector<544x544xf32>
    %reduce_sum3A_193 = arith.constant dense<0.000000e+00> : vector<544xf32>
    %reduce_sum3A_194 = vector.multi_reduction <add>, %mul3A_192, %reduce_sum3A_193 [1] : vector<544x544xf32> to vector<544xf32>
    %broadcast_in_dim3A_195 = vector.shape_cast %reduce_sum3A_194 : vector<544xf32> to vector<544x1xf32>
    %add3A_196 = arith.constant 1.000000e-16 : f32
    %add3A_197 = vector.broadcast %add3A_196 : f32 to vector<544x1xf32>
    %add3A_198 = arith.addf %broadcast_in_dim3A_195, %add3A_197 : vector<544x1xf32>
    %div3A_199 = vector.broadcast %add3A_198 : vector<544x1xf32> to vector<544x544xf32>
    %div3A_200 = arith.divf %mul3A_192, %div3A_199 : vector<544x544xf32>
    %dot_general3A_201 = arith.constant dense<0.000000e+00> : vector<544x300xf32>
    %dot_general3A_202 = tpu.matmul %div3A_200, %slice3A_157, %dot_general3A_201 {dimension_numbers = #tpu.dot_dimension_numbers<[1], [0], [0], [1], [0, 0, 1, 1], [], []>, transpose_lhs_hint = false} : vector<544x544xf32>, vector<544x300xf32>, vector<544x300xf32> -> vector<544x300xf32>
    %add3A_203 = arith.addf %add3A_156, %dot_general3A_202 : vector<544x300xf32>
    %slice3A_204 = vector.extract_strided_slice %dot_general3A_16 {offsets = [0, 1200], sizes = [544, 300], strides = [1, 1]} : vector<544x1500xf32> to vector<544x300xf32>
    %get3A_205 = arith.constant 0 : index
    %get3A_206 = arith.constant 0 : index
    %get3A_207 = vector.load %arg6[%get3A_205, %get3A_206] : memref<300x5xf32, #tpu.memory_space<vmem>>, vector<300x5xf32>
    %slice3A_208 = vector.extract_strided_slice %get3A_207 {offsets = [0, 4], sizes = [300, 1], strides = [1, 1]} : vector<300x5xf32> to vector<300x1xf32>
    %dot_general3A_209 = arith.constant dense<0.000000e+00> : vector<544x1xf32>
    %dot_general3A_210 = tpu.matmul %slice3A_204, %slice3A_208, %dot_general3A_209 {dimension_numbers = #tpu.dot_dimension_numbers<[1], [0], [0], [1], [0, 0, 1, 1], [], []>, transpose_lhs_hint = false} : vector<544x300xf32>, vector<300x1xf32>, vector<544x1xf32> -> vector<544x1xf32>
    %get3A_211 = arith.constant 0 : index
    %get3A_212 = arith.constant 0 : index
    %get3A_213 = vector.load %arg5[%get3A_211, %get3A_212] : memref<300x5xf32, #tpu.memory_space<vmem>>, vector<300x5xf32>
    %slice3A_214 = vector.extract_strided_slice %get3A_213 {offsets = [0, 4], sizes = [300, 1], strides = [1, 1]} : vector<300x5xf32> to vector<300x1xf32>
    %dot_general3A_215 = arith.constant dense<0.000000e+00> : vector<1x544xf32>
    %dot_general3A_216 = tpu.matmul %slice3A_214, %slice3A_204, %dot_general3A_215 {dimension_numbers = #tpu.dot_dimension_numbers<[0], [1], [1], [0], [0, 1, 1, 0], [], []>, transpose_lhs_hint = false} : vector<300x1xf32>, vector<544x300xf32>, vector<1x544xf32> -> vector<1x544xf32>
    %add3A_217 = vector.broadcast %dot_general3A_210 : vector<544x1xf32> to vector<544x544xf32>
    %add3A_218 = vector.broadcast %dot_general3A_216 : vector<1x544xf32> to vector<544x544xf32>
    %add3A_219 = arith.addf %add3A_217, %add3A_218 : vector<544x544xf32>
    %gt3A_220 = arith.constant 0.000000e+00 : f32
    %gt3A_221 = vector.broadcast %gt3A_220 : f32 to vector<544x544xf32>
    %gt3A_222 = arith.cmpf ogt, %add3A_219, %gt3A_221 : vector<544x544xf32>
    %mul3A_223 = arith.constant 2.000000e-01 : f32
    %mul3A_224 = vector.broadcast %mul3A_223 : f32 to vector<544x544xf32>
    %mul3A_225 = arith.mulf %mul3A_224, %add3A_219 : vector<544x544xf32>
    %select_n3A_226 = arith.select %gt3A_222, %add3A_219, %mul3A_225 : vector<544x544xi1>, vector<544x544xf32>
    %gt3A_227 = arith.constant 0.000000e+00 : f32
    %gt3A_228 = vector.broadcast %gt3A_227 : f32 to vector<544x544xf32>
    %gt3A_229 = arith.cmpf ogt, %get3A_1, %gt3A_228 : vector<544x544xf32>
    %jit3A_230 = arith.constant -1.000000e+30 : f32
    %broadcast_in_dim3A_231 = vector.broadcast %jit3A_230 : f32 to vector<544x544xf32>
    %select_n3A_232 = arith.select %gt3A_229, %select_n3A_226, %broadcast_in_dim3A_231 : vector<544x544xi1>, vector<544x544xf32>
    %reduce_max3A_233 = arith.constant dense<0xFF800000> : vector<544xf32>
    %reduce_max3A_234 = vector.multi_reduction <maximumf>, %select_n3A_232, %reduce_max3A_233 [1] : vector<544x544xf32> to vector<544xf32>
    %broadcast_in_dim3A_235 = vector.shape_cast %reduce_max3A_234 : vector<544xf32> to vector<544x1xf32>
    %sub3A_236 = vector.broadcast %broadcast_in_dim3A_235 : vector<544x1xf32> to vector<544x544xf32>
    %sub3A_237 = arith.subf %select_n3A_232, %sub3A_236 : vector<544x544xf32>
    %exp3A_238 = math.exp %sub3A_237 : vector<544x544xf32>
    %mul3A_239 = arith.mulf %exp3A_238, %get3A_1 : vector<544x544xf32>
    %reduce_sum3A_240 = arith.constant dense<0.000000e+00> : vector<544xf32>
    %reduce_sum3A_241 = vector.multi_reduction <add>, %mul3A_239, %reduce_sum3A_240 [1] : vector<544x544xf32> to vector<544xf32>
    %broadcast_in_dim3A_242 = vector.shape_cast %reduce_sum3A_241 : vector<544xf32> to vector<544x1xf32>
    %add3A_243 = arith.constant 1.000000e-16 : f32
    %add3A_244 = vector.broadcast %add3A_243 : f32 to vector<544x1xf32>
    %add3A_245 = arith.addf %broadcast_in_dim3A_242, %add3A_244 : vector<544x1xf32>
    %div3A_246 = vector.broadcast %add3A_245 : vector<544x1xf32> to vector<544x544xf32>
    %div3A_247 = arith.divf %mul3A_239, %div3A_246 : vector<544x544xf32>
    %dot_general3A_248 = arith.constant dense<0.000000e+00> : vector<544x300xf32>
    %dot_general3A_249 = tpu.matmul %div3A_247, %slice3A_204, %dot_general3A_248 {dimension_numbers = #tpu.dot_dimension_numbers<[1], [0], [0], [1], [0, 0, 1, 1], [], []>, transpose_lhs_hint = false} : vector<544x544xf32>, vector<544x300xf32>, vector<544x300xf32> -> vector<544x300xf32>
    %add3A_250 = arith.addf %add3A_203, %dot_general3A_249 : vector<544x300xf32>
    %mul3A_251 = arith.constant 2.000000e-01 : f32
    %mul3A_252 = vector.broadcast %mul3A_251 : f32 to vector<544x300xf32>
    %mul3A_253 = arith.mulf %add3A_250, %mul3A_252 : vector<544x300xf32>
    %get3A_254 = arith.constant 0 : index
    %get3A_255 = arith.constant 0 : index
    %get3A_256 = vector.load %arg9[%get3A_254, %get3A_255] : memref<300x1500xf32, #tpu.memory_space<vmem>>, vector<300x1500xf32>
    %dot_general3A_257 = arith.constant dense<0.000000e+00> : vector<544x1500xf32>
    %dot_general3A_258 = tpu.matmul %mul3A_253, %get3A_256, %dot_general3A_257 {dimension_numbers = #tpu.dot_dimension_numbers<[1], [0], [0], [1], [0, 0, 1, 1], [], []>, transpose_lhs_hint = false} : vector<544x300xf32>, vector<300x1500xf32>, vector<544x1500xf32> -> vector<544x1500xf32>
    %get3A_259 = arith.constant 0 : index
    %get3A_260 = arith.constant 0 : index
    %get3A_261 = vector.load %arg12[%get3A_259, %get3A_260] : memref<300x300xf32, #tpu.memory_space<vmem>>, vector<300x300xf32>
    %dot_general3A_262 = arith.constant dense<0.000000e+00> : vector<544x300xf32>
    %dot_general3A_263 = tpu.matmul %mul3A_253, %get3A_261, %dot_general3A_262 {dimension_numbers = #tpu.dot_dimension_numbers<[1], [0], [0], [1], [0, 0, 1, 1], [], []>, transpose_lhs_hint = false} : vector<544x300xf32>, vector<300x300xf32>, vector<544x300xf32> -> vector<544x300xf32>
    %get3A_264 = arith.constant 0 : index
    %get3A_265 = arith.constant 0 : index
    %get3A_266 = vector.load %arg13[%get3A_264, %get3A_265] : memref<1x300xf32, #tpu.memory_space<vmem>>, vector<1x300xf32>
    %add3A_267 = vector.broadcast %get3A_266 : vector<1x300xf32> to vector<544x300xf32>
    %add3A_268 = arith.addf %dot_general3A_263, %add3A_267 : vector<544x300xf32>
    %slice3A_269 = vector.extract_strided_slice %dot_general3A_258 {offsets = [0, 0], sizes = [544, 300], strides = [1, 1]} : vector<544x1500xf32> to vector<544x300xf32>
    %get3A_270 = arith.constant 0 : index
    %get3A_271 = arith.constant 0 : index
    %get3A_272 = vector.load %arg11[%get3A_270, %get3A_271] : memref<300x5xf32, #tpu.memory_space<vmem>>, vector<300x5xf32>
    %slice3A_273 = vector.extract_strided_slice %get3A_272 {offsets = [0, 0], sizes = [300, 1], strides = [1, 1]} : vector<300x5xf32> to vector<300x1xf32>
    %dot_general3A_274 = arith.constant dense<0.000000e+00> : vector<544x1xf32>
    %dot_general3A_275 = tpu.matmul %slice3A_269, %slice3A_273, %dot_general3A_274 {dimension_numbers = #tpu.dot_dimension_numbers<[1], [0], [0], [1], [0, 0, 1, 1], [], []>, transpose_lhs_hint = false} : vector<544x300xf32>, vector<300x1xf32>, vector<544x1xf32> -> vector<544x1xf32>
    %get3A_276 = arith.constant 0 : index
    %get3A_277 = arith.constant 0 : index
    %get3A_278 = vector.load %arg10[%get3A_276, %get3A_277] : memref<300x5xf32, #tpu.memory_space<vmem>>, vector<300x5xf32>
    %slice3A_279 = vector.extract_strided_slice %get3A_278 {offsets = [0, 0], sizes = [300, 1], strides = [1, 1]} : vector<300x5xf32> to vector<300x1xf32>
    %dot_general3A_280 = arith.constant dense<0.000000e+00> : vector<1x544xf32>
    %dot_general3A_281 = tpu.matmul %slice3A_279, %slice3A_269, %dot_general3A_280 {dimension_numbers = #tpu.dot_dimension_numbers<[0], [1], [1], [0], [0, 1, 1, 0], [], []>, transpose_lhs_hint = false} : vector<300x1xf32>, vector<544x300xf32>, vector<1x544xf32> -> vector<1x544xf32>
    %add3A_282 = vector.broadcast %dot_general3A_275 : vector<544x1xf32> to vector<544x544xf32>
    %add3A_283 = vector.broadcast %dot_general3A_281 : vector<1x544xf32> to vector<544x544xf32>
    %add3A_284 = arith.addf %add3A_282, %add3A_283 : vector<544x544xf32>
    %gt3A_285 = arith.constant 0.000000e+00 : f32
    %gt3A_286 = vector.broadcast %gt3A_285 : f32 to vector<544x544xf32>
    %gt3A_287 = arith.cmpf ogt, %add3A_284, %gt3A_286 : vector<544x544xf32>
    %mul3A_288 = arith.constant 2.000000e-01 : f32
    %mul3A_289 = vector.broadcast %mul3A_288 : f32 to vector<544x544xf32>
    %mul3A_290 = arith.mulf %mul3A_289, %add3A_284 : vector<544x544xf32>
    %select_n3A_291 = arith.select %gt3A_287, %add3A_284, %mul3A_290 : vector<544x544xi1>, vector<544x544xf32>
    %gt3A_292 = arith.constant 0.000000e+00 : f32
    %gt3A_293 = vector.broadcast %gt3A_292 : f32 to vector<544x544xf32>
    %gt3A_294 = arith.cmpf ogt, %get3A_1, %gt3A_293 : vector<544x544xf32>
    %jit3A_295 = arith.constant -1.000000e+30 : f32
    %broadcast_in_dim3A_296 = vector.broadcast %jit3A_295 : f32 to vector<544x544xf32>
    %select_n3A_297 = arith.select %gt3A_294, %select_n3A_291, %broadcast_in_dim3A_296 : vector<544x544xi1>, vector<544x544xf32>
    %reduce_max3A_298 = arith.constant dense<0xFF800000> : vector<544xf32>
    %reduce_max3A_299 = vector.multi_reduction <maximumf>, %select_n3A_297, %reduce_max3A_298 [1] : vector<544x544xf32> to vector<544xf32>
    %broadcast_in_dim3A_300 = vector.shape_cast %reduce_max3A_299 : vector<544xf32> to vector<544x1xf32>
    %sub3A_301 = vector.broadcast %broadcast_in_dim3A_300 : vector<544x1xf32> to vector<544x544xf32>
    %sub3A_302 = arith.subf %select_n3A_297, %sub3A_301 : vector<544x544xf32>
    %exp3A_303 = math.exp %sub3A_302 : vector<544x544xf32>
    %mul3A_304 = arith.mulf %exp3A_303, %get3A_1 : vector<544x544xf32>
    %reduce_sum3A_305 = arith.constant dense<0.000000e+00> : vector<544xf32>
    %reduce_sum3A_306 = vector.multi_reduction <add>, %mul3A_304, %reduce_sum3A_305 [1] : vector<544x544xf32> to vector<544xf32>
    %broadcast_in_dim3A_307 = vector.shape_cast %reduce_sum3A_306 : vector<544xf32> to vector<544x1xf32>
    %add3A_308 = arith.constant 1.000000e-16 : f32
    %add3A_309 = vector.broadcast %add3A_308 : f32 to vector<544x1xf32>
    %add3A_310 = arith.addf %broadcast_in_dim3A_307, %add3A_309 : vector<544x1xf32>
    %div3A_311 = vector.broadcast %add3A_310 : vector<544x1xf32> to vector<544x544xf32>
    %div3A_312 = arith.divf %mul3A_304, %div3A_311 : vector<544x544xf32>
    %dot_general3A_313 = arith.constant dense<0.000000e+00> : vector<544x300xf32>
    %dot_general3A_314 = tpu.matmul %div3A_312, %slice3A_269, %dot_general3A_313 {dimension_numbers = #tpu.dot_dimension_numbers<[1], [0], [0], [1], [0, 0, 1, 1], [], []>, transpose_lhs_hint = false} : vector<544x544xf32>, vector<544x300xf32>, vector<544x300xf32> -> vector<544x300xf32>
    %add3A_315 = arith.addf %add3A_268, %dot_general3A_314 : vector<544x300xf32>
    %slice3A_316 = vector.extract_strided_slice %dot_general3A_258 {offsets = [0, 300], sizes = [544, 300], strides = [1, 1]} : vector<544x1500xf32> to vector<544x300xf32>
    %get3A_317 = arith.constant 0 : index
    %get3A_318 = arith.constant 0 : index
    %get3A_319 = vector.load %arg11[%get3A_317, %get3A_318] : memref<300x5xf32, #tpu.memory_space<vmem>>, vector<300x5xf32>
    %slice3A_320 = vector.extract_strided_slice %get3A_319 {offsets = [0, 1], sizes = [300, 1], strides = [1, 1]} : vector<300x5xf32> to vector<300x1xf32>
    %dot_general3A_321 = arith.constant dense<0.000000e+00> : vector<544x1xf32>
    %dot_general3A_322 = tpu.matmul %slice3A_316, %slice3A_320, %dot_general3A_321 {dimension_numbers = #tpu.dot_dimension_numbers<[1], [0], [0], [1], [0, 0, 1, 1], [], []>, transpose_lhs_hint = false} : vector<544x300xf32>, vector<300x1xf32>, vector<544x1xf32> -> vector<544x1xf32>
    %get3A_323 = arith.constant 0 : index
    %get3A_324 = arith.constant 0 : index
    %get3A_325 = vector.load %arg10[%get3A_323, %get3A_324] : memref<300x5xf32, #tpu.memory_space<vmem>>, vector<300x5xf32>
    %slice3A_326 = vector.extract_strided_slice %get3A_325 {offsets = [0, 1], sizes = [300, 1], strides = [1, 1]} : vector<300x5xf32> to vector<300x1xf32>
    %dot_general3A_327 = arith.constant dense<0.000000e+00> : vector<1x544xf32>
    %dot_general3A_328 = tpu.matmul %slice3A_326, %slice3A_316, %dot_general3A_327 {dimension_numbers = #tpu.dot_dimension_numbers<[0], [1], [1], [0], [0, 1, 1, 0], [], []>, transpose_lhs_hint = false} : vector<300x1xf32>, vector<544x300xf32>, vector<1x544xf32> -> vector<1x544xf32>
    %add3A_329 = vector.broadcast %dot_general3A_322 : vector<544x1xf32> to vector<544x544xf32>
    %add3A_330 = vector.broadcast %dot_general3A_328 : vector<1x544xf32> to vector<544x544xf32>
    %add3A_331 = arith.addf %add3A_329, %add3A_330 : vector<544x544xf32>
    %gt3A_332 = arith.constant 0.000000e+00 : f32
    %gt3A_333 = vector.broadcast %gt3A_332 : f32 to vector<544x544xf32>
    %gt3A_334 = arith.cmpf ogt, %add3A_331, %gt3A_333 : vector<544x544xf32>
    %mul3A_335 = arith.constant 2.000000e-01 : f32
    %mul3A_336 = vector.broadcast %mul3A_335 : f32 to vector<544x544xf32>
    %mul3A_337 = arith.mulf %mul3A_336, %add3A_331 : vector<544x544xf32>
    %select_n3A_338 = arith.select %gt3A_334, %add3A_331, %mul3A_337 : vector<544x544xi1>, vector<544x544xf32>
    %gt3A_339 = arith.constant 0.000000e+00 : f32
    %gt3A_340 = vector.broadcast %gt3A_339 : f32 to vector<544x544xf32>
    %gt3A_341 = arith.cmpf ogt, %get3A_1, %gt3A_340 : vector<544x544xf32>
    %jit3A_342 = arith.constant -1.000000e+30 : f32
    %broadcast_in_dim3A_343 = vector.broadcast %jit3A_342 : f32 to vector<544x544xf32>
    %select_n3A_344 = arith.select %gt3A_341, %select_n3A_338, %broadcast_in_dim3A_343 : vector<544x544xi1>, vector<544x544xf32>
    %reduce_max3A_345 = arith.constant dense<0xFF800000> : vector<544xf32>
    %reduce_max3A_346 = vector.multi_reduction <maximumf>, %select_n3A_344, %reduce_max3A_345 [1] : vector<544x544xf32> to vector<544xf32>
    %broadcast_in_dim3A_347 = vector.shape_cast %reduce_max3A_346 : vector<544xf32> to vector<544x1xf32>
    %sub3A_348 = vector.broadcast %broadcast_in_dim3A_347 : vector<544x1xf32> to vector<544x544xf32>
    %sub3A_349 = arith.subf %select_n3A_344, %sub3A_348 : vector<544x544xf32>
    %exp3A_350 = math.exp %sub3A_349 : vector<544x544xf32>
    %mul3A_351 = arith.mulf %exp3A_350, %get3A_1 : vector<544x544xf32>
    %reduce_sum3A_352 = arith.constant dense<0.000000e+00> : vector<544xf32>
    %reduce_sum3A_353 = vector.multi_reduction <add>, %mul3A_351, %reduce_sum3A_352 [1] : vector<544x544xf32> to vector<544xf32>
    %broadcast_in_dim3A_354 = vector.shape_cast %reduce_sum3A_353 : vector<544xf32> to vector<544x1xf32>
    %add3A_355 = arith.constant 1.000000e-16 : f32
    %add3A_356 = vector.broadcast %add3A_355 : f32 to vector<544x1xf32>
    %add3A_357 = arith.addf %broadcast_in_dim3A_354, %add3A_356 : vector<544x1xf32>
    %div3A_358 = vector.broadcast %add3A_357 : vector<544x1xf32> to vector<544x544xf32>
    %div3A_359 = arith.divf %mul3A_351, %div3A_358 : vector<544x544xf32>
    %dot_general3A_360 = arith.constant dense<0.000000e+00> : vector<544x300xf32>
    %dot_general3A_361 = tpu.matmul %div3A_359, %slice3A_316, %dot_general3A_360 {dimension_numbers = #tpu.dot_dimension_numbers<[1], [0], [0], [1], [0, 0, 1, 1], [], []>, transpose_lhs_hint = false} : vector<544x544xf32>, vector<544x300xf32>, vector<544x300xf32> -> vector<544x300xf32>
    %add3A_362 = arith.addf %add3A_315, %dot_general3A_361 : vector<544x300xf32>
    %slice3A_363 = vector.extract_strided_slice %dot_general3A_258 {offsets = [0, 600], sizes = [544, 300], strides = [1, 1]} : vector<544x1500xf32> to vector<544x300xf32>
    %get3A_364 = arith.constant 0 : index
    %get3A_365 = arith.constant 0 : index
    %get3A_366 = vector.load %arg11[%get3A_364, %get3A_365] : memref<300x5xf32, #tpu.memory_space<vmem>>, vector<300x5xf32>
    %slice3A_367 = vector.extract_strided_slice %get3A_366 {offsets = [0, 2], sizes = [300, 1], strides = [1, 1]} : vector<300x5xf32> to vector<300x1xf32>
    %dot_general3A_368 = arith.constant dense<0.000000e+00> : vector<544x1xf32>
    %dot_general3A_369 = tpu.matmul %slice3A_363, %slice3A_367, %dot_general3A_368 {dimension_numbers = #tpu.dot_dimension_numbers<[1], [0], [0], [1], [0, 0, 1, 1], [], []>, transpose_lhs_hint = false} : vector<544x300xf32>, vector<300x1xf32>, vector<544x1xf32> -> vector<544x1xf32>
    %get3A_370 = arith.constant 0 : index
    %get3A_371 = arith.constant 0 : index
    %get3A_372 = vector.load %arg10[%get3A_370, %get3A_371] : memref<300x5xf32, #tpu.memory_space<vmem>>, vector<300x5xf32>
    %slice3A_373 = vector.extract_strided_slice %get3A_372 {offsets = [0, 2], sizes = [300, 1], strides = [1, 1]} : vector<300x5xf32> to vector<300x1xf32>
    %dot_general3A_374 = arith.constant dense<0.000000e+00> : vector<1x544xf32>
    %dot_general3A_375 = tpu.matmul %slice3A_373, %slice3A_363, %dot_general3A_374 {dimension_numbers = #tpu.dot_dimension_numbers<[0], [1], [1], [0], [0, 1, 1, 0], [], []>, transpose_lhs_hint = false} : vector<300x1xf32>, vector<544x300xf32>, vector<1x544xf32> -> vector<1x544xf32>
    %add3A_376 = vector.broadcast %dot_general3A_369 : vector<544x1xf32> to vector<544x544xf32>
    %add3A_377 = vector.broadcast %dot_general3A_375 : vector<1x544xf32> to vector<544x544xf32>
    %add3A_378 = arith.addf %add3A_376, %add3A_377 : vector<544x544xf32>
    %gt3A_379 = arith.constant 0.000000e+00 : f32
    %gt3A_380 = vector.broadcast %gt3A_379 : f32 to vector<544x544xf32>
    %gt3A_381 = arith.cmpf ogt, %add3A_378, %gt3A_380 : vector<544x544xf32>
    %mul3A_382 = arith.constant 2.000000e-01 : f32
    %mul3A_383 = vector.broadcast %mul3A_382 : f32 to vector<544x544xf32>
    %mul3A_384 = arith.mulf %mul3A_383, %add3A_378 : vector<544x544xf32>
    %select_n3A_385 = arith.select %gt3A_381, %add3A_378, %mul3A_384 : vector<544x544xi1>, vector<544x544xf32>
    %gt3A_386 = arith.constant 0.000000e+00 : f32
    %gt3A_387 = vector.broadcast %gt3A_386 : f32 to vector<544x544xf32>
    %gt3A_388 = arith.cmpf ogt, %get3A_1, %gt3A_387 : vector<544x544xf32>
    %jit3A_389 = arith.constant -1.000000e+30 : f32
    %broadcast_in_dim3A_390 = vector.broadcast %jit3A_389 : f32 to vector<544x544xf32>
    %select_n3A_391 = arith.select %gt3A_388, %select_n3A_385, %broadcast_in_dim3A_390 : vector<544x544xi1>, vector<544x544xf32>
    %reduce_max3A_392 = arith.constant dense<0xFF800000> : vector<544xf32>
    %reduce_max3A_393 = vector.multi_reduction <maximumf>, %select_n3A_391, %reduce_max3A_392 [1] : vector<544x544xf32> to vector<544xf32>
    %broadcast_in_dim3A_394 = vector.shape_cast %reduce_max3A_393 : vector<544xf32> to vector<544x1xf32>
    %sub3A_395 = vector.broadcast %broadcast_in_dim3A_394 : vector<544x1xf32> to vector<544x544xf32>
    %sub3A_396 = arith.subf %select_n3A_391, %sub3A_395 : vector<544x544xf32>
    %exp3A_397 = math.exp %sub3A_396 : vector<544x544xf32>
    %mul3A_398 = arith.mulf %exp3A_397, %get3A_1 : vector<544x544xf32>
    %reduce_sum3A_399 = arith.constant dense<0.000000e+00> : vector<544xf32>
    %reduce_sum3A_400 = vector.multi_reduction <add>, %mul3A_398, %reduce_sum3A_399 [1] : vector<544x544xf32> to vector<544xf32>
    %broadcast_in_dim3A_401 = vector.shape_cast %reduce_sum3A_400 : vector<544xf32> to vector<544x1xf32>
    %add3A_402 = arith.constant 1.000000e-16 : f32
    %add3A_403 = vector.broadcast %add3A_402 : f32 to vector<544x1xf32>
    %add3A_404 = arith.addf %broadcast_in_dim3A_401, %add3A_403 : vector<544x1xf32>
    %div3A_405 = vector.broadcast %add3A_404 : vector<544x1xf32> to vector<544x544xf32>
    %div3A_406 = arith.divf %mul3A_398, %div3A_405 : vector<544x544xf32>
    %dot_general3A_407 = arith.constant dense<0.000000e+00> : vector<544x300xf32>
    %dot_general3A_408 = tpu.matmul %div3A_406, %slice3A_363, %dot_general3A_407 {dimension_numbers = #tpu.dot_dimension_numbers<[1], [0], [0], [1], [0, 0, 1, 1], [], []>, transpose_lhs_hint = false} : vector<544x544xf32>, vector<544x300xf32>, vector<544x300xf32> -> vector<544x300xf32>
    %add3A_409 = arith.addf %add3A_362, %dot_general3A_408 : vector<544x300xf32>
    %slice3A_410 = vector.extract_strided_slice %dot_general3A_258 {offsets = [0, 900], sizes = [544, 300], strides = [1, 1]} : vector<544x1500xf32> to vector<544x300xf32>
    %get3A_411 = arith.constant 0 : index
    %get3A_412 = arith.constant 0 : index
    %get3A_413 = vector.load %arg11[%get3A_411, %get3A_412] : memref<300x5xf32, #tpu.memory_space<vmem>>, vector<300x5xf32>
    %slice3A_414 = vector.extract_strided_slice %get3A_413 {offsets = [0, 3], sizes = [300, 1], strides = [1, 1]} : vector<300x5xf32> to vector<300x1xf32>
    %dot_general3A_415 = arith.constant dense<0.000000e+00> : vector<544x1xf32>
    %dot_general3A_416 = tpu.matmul %slice3A_410, %slice3A_414, %dot_general3A_415 {dimension_numbers = #tpu.dot_dimension_numbers<[1], [0], [0], [1], [0, 0, 1, 1], [], []>, transpose_lhs_hint = false} : vector<544x300xf32>, vector<300x1xf32>, vector<544x1xf32> -> vector<544x1xf32>
    %get3A_417 = arith.constant 0 : index
    %get3A_418 = arith.constant 0 : index
    %get3A_419 = vector.load %arg10[%get3A_417, %get3A_418] : memref<300x5xf32, #tpu.memory_space<vmem>>, vector<300x5xf32>
    %slice3A_420 = vector.extract_strided_slice %get3A_419 {offsets = [0, 3], sizes = [300, 1], strides = [1, 1]} : vector<300x5xf32> to vector<300x1xf32>
    %dot_general3A_421 = arith.constant dense<0.000000e+00> : vector<1x544xf32>
    %dot_general3A_422 = tpu.matmul %slice3A_420, %slice3A_410, %dot_general3A_421 {dimension_numbers = #tpu.dot_dimension_numbers<[0], [1], [1], [0], [0, 1, 1, 0], [], []>, transpose_lhs_hint = false} : vector<300x1xf32>, vector<544x300xf32>, vector<1x544xf32> -> vector<1x544xf32>
    %add3A_423 = vector.broadcast %dot_general3A_416 : vector<544x1xf32> to vector<544x544xf32>
    %add3A_424 = vector.broadcast %dot_general3A_422 : vector<1x544xf32> to vector<544x544xf32>
    %add3A_425 = arith.addf %add3A_423, %add3A_424 : vector<544x544xf32>
    %gt3A_426 = arith.constant 0.000000e+00 : f32
    %gt3A_427 = vector.broadcast %gt3A_426 : f32 to vector<544x544xf32>
    %gt3A_428 = arith.cmpf ogt, %add3A_425, %gt3A_427 : vector<544x544xf32>
    %mul3A_429 = arith.constant 2.000000e-01 : f32
    %mul3A_430 = vector.broadcast %mul3A_429 : f32 to vector<544x544xf32>
    %mul3A_431 = arith.mulf %mul3A_430, %add3A_425 : vector<544x544xf32>
    %select_n3A_432 = arith.select %gt3A_428, %add3A_425, %mul3A_431 : vector<544x544xi1>, vector<544x544xf32>
    %gt3A_433 = arith.constant 0.000000e+00 : f32
    %gt3A_434 = vector.broadcast %gt3A_433 : f32 to vector<544x544xf32>
    %gt3A_435 = arith.cmpf ogt, %get3A_1, %gt3A_434 : vector<544x544xf32>
    %jit3A_436 = arith.constant -1.000000e+30 : f32
    %broadcast_in_dim3A_437 = vector.broadcast %jit3A_436 : f32 to vector<544x544xf32>
    %select_n3A_438 = arith.select %gt3A_435, %select_n3A_432, %broadcast_in_dim3A_437 : vector<544x544xi1>, vector<544x544xf32>
    %reduce_max3A_439 = arith.constant dense<0xFF800000> : vector<544xf32>
    %reduce_max3A_440 = vector.multi_reduction <maximumf>, %select_n3A_438, %reduce_max3A_439 [1] : vector<544x544xf32> to vector<544xf32>
    %broadcast_in_dim3A_441 = vector.shape_cast %reduce_max3A_440 : vector<544xf32> to vector<544x1xf32>
    %sub3A_442 = vector.broadcast %broadcast_in_dim3A_441 : vector<544x1xf32> to vector<544x544xf32>
    %sub3A_443 = arith.subf %select_n3A_438, %sub3A_442 : vector<544x544xf32>
    %exp3A_444 = math.exp %sub3A_443 : vector<544x544xf32>
    %mul3A_445 = arith.mulf %exp3A_444, %get3A_1 : vector<544x544xf32>
    %reduce_sum3A_446 = arith.constant dense<0.000000e+00> : vector<544xf32>
    %reduce_sum3A_447 = vector.multi_reduction <add>, %mul3A_445, %reduce_sum3A_446 [1] : vector<544x544xf32> to vector<544xf32>
    %broadcast_in_dim3A_448 = vector.shape_cast %reduce_sum3A_447 : vector<544xf32> to vector<544x1xf32>
    %add3A_449 = arith.constant 1.000000e-16 : f32
    %add3A_450 = vector.broadcast %add3A_449 : f32 to vector<544x1xf32>
    %add3A_451 = arith.addf %broadcast_in_dim3A_448, %add3A_450 : vector<544x1xf32>
    %div3A_452 = vector.broadcast %add3A_451 : vector<544x1xf32> to vector<544x544xf32>
    %div3A_453 = arith.divf %mul3A_445, %div3A_452 : vector<544x544xf32>
    %dot_general3A_454 = arith.constant dense<0.000000e+00> : vector<544x300xf32>
    %dot_general3A_455 = tpu.matmul %div3A_453, %slice3A_410, %dot_general3A_454 {dimension_numbers = #tpu.dot_dimension_numbers<[1], [0], [0], [1], [0, 0, 1, 1], [], []>, transpose_lhs_hint = false} : vector<544x544xf32>, vector<544x300xf32>, vector<544x300xf32> -> vector<544x300xf32>
    %add3A_456 = arith.addf %add3A_409, %dot_general3A_455 : vector<544x300xf32>
    %slice3A_457 = vector.extract_strided_slice %dot_general3A_258 {offsets = [0, 1200], sizes = [544, 300], strides = [1, 1]} : vector<544x1500xf32> to vector<544x300xf32>
    %get3A_458 = arith.constant 0 : index
    %get3A_459 = arith.constant 0 : index
    %get3A_460 = vector.load %arg11[%get3A_458, %get3A_459] : memref<300x5xf32, #tpu.memory_space<vmem>>, vector<300x5xf32>
    %slice3A_461 = vector.extract_strided_slice %get3A_460 {offsets = [0, 4], sizes = [300, 1], strides = [1, 1]} : vector<300x5xf32> to vector<300x1xf32>
    %dot_general3A_462 = arith.constant dense<0.000000e+00> : vector<544x1xf32>
    %dot_general3A_463 = tpu.matmul %slice3A_457, %slice3A_461, %dot_general3A_462 {dimension_numbers = #tpu.dot_dimension_numbers<[1], [0], [0], [1], [0, 0, 1, 1], [], []>, transpose_lhs_hint = false} : vector<544x300xf32>, vector<300x1xf32>, vector<544x1xf32> -> vector<544x1xf32>
    %get3A_464 = arith.constant 0 : index
    %get3A_465 = arith.constant 0 : index
    %get3A_466 = vector.load %arg10[%get3A_464, %get3A_465] : memref<300x5xf32, #tpu.memory_space<vmem>>, vector<300x5xf32>
    %slice3A_467 = vector.extract_strided_slice %get3A_466 {offsets = [0, 4], sizes = [300, 1], strides = [1, 1]} : vector<300x5xf32> to vector<300x1xf32>
    %dot_general3A_468 = arith.constant dense<0.000000e+00> : vector<1x544xf32>
    %dot_general3A_469 = tpu.matmul %slice3A_467, %slice3A_457, %dot_general3A_468 {dimension_numbers = #tpu.dot_dimension_numbers<[0], [1], [1], [0], [0, 1, 1, 0], [], []>, transpose_lhs_hint = false} : vector<300x1xf32>, vector<544x300xf32>, vector<1x544xf32> -> vector<1x544xf32>
    %add3A_470 = vector.broadcast %dot_general3A_463 : vector<544x1xf32> to vector<544x544xf32>
    %add3A_471 = vector.broadcast %dot_general3A_469 : vector<1x544xf32> to vector<544x544xf32>
    %add3A_472 = arith.addf %add3A_470, %add3A_471 : vector<544x544xf32>
    %gt3A_473 = arith.constant 0.000000e+00 : f32
    %gt3A_474 = vector.broadcast %gt3A_473 : f32 to vector<544x544xf32>
    %gt3A_475 = arith.cmpf ogt, %add3A_472, %gt3A_474 : vector<544x544xf32>
    %mul3A_476 = arith.constant 2.000000e-01 : f32
    %mul3A_477 = vector.broadcast %mul3A_476 : f32 to vector<544x544xf32>
    %mul3A_478 = arith.mulf %mul3A_477, %add3A_472 : vector<544x544xf32>
    %select_n3A_479 = arith.select %gt3A_475, %add3A_472, %mul3A_478 : vector<544x544xi1>, vector<544x544xf32>
    %gt3A_480 = arith.constant 0.000000e+00 : f32
    %gt3A_481 = vector.broadcast %gt3A_480 : f32 to vector<544x544xf32>
    %gt3A_482 = arith.cmpf ogt, %get3A_1, %gt3A_481 : vector<544x544xf32>
    %jit3A_483 = arith.constant -1.000000e+30 : f32
    %broadcast_in_dim3A_484 = vector.broadcast %jit3A_483 : f32 to vector<544x544xf32>
    %select_n3A_485 = arith.select %gt3A_482, %select_n3A_479, %broadcast_in_dim3A_484 : vector<544x544xi1>, vector<544x544xf32>
    %reduce_max3A_486 = arith.constant dense<0xFF800000> : vector<544xf32>
    %reduce_max3A_487 = vector.multi_reduction <maximumf>, %select_n3A_485, %reduce_max3A_486 [1] : vector<544x544xf32> to vector<544xf32>
    %broadcast_in_dim3A_488 = vector.shape_cast %reduce_max3A_487 : vector<544xf32> to vector<544x1xf32>
    %sub3A_489 = vector.broadcast %broadcast_in_dim3A_488 : vector<544x1xf32> to vector<544x544xf32>
    %sub3A_490 = arith.subf %select_n3A_485, %sub3A_489 : vector<544x544xf32>
    %exp3A_491 = math.exp %sub3A_490 : vector<544x544xf32>
    %mul3A_492 = arith.mulf %exp3A_491, %get3A_1 : vector<544x544xf32>
    %reduce_sum3A_493 = arith.constant dense<0.000000e+00> : vector<544xf32>
    %reduce_sum3A_494 = vector.multi_reduction <add>, %mul3A_492, %reduce_sum3A_493 [1] : vector<544x544xf32> to vector<544xf32>
    %broadcast_in_dim3A_495 = vector.shape_cast %reduce_sum3A_494 : vector<544xf32> to vector<544x1xf32>
    %add3A_496 = arith.constant 1.000000e-16 : f32
    %add3A_497 = vector.broadcast %add3A_496 : f32 to vector<544x1xf32>
    %add3A_498 = arith.addf %broadcast_in_dim3A_495, %add3A_497 : vector<544x1xf32>
    %div3A_499 = vector.broadcast %add3A_498 : vector<544x1xf32> to vector<544x544xf32>
    %div3A_500 = arith.divf %mul3A_492, %div3A_499 : vector<544x544xf32>
    %dot_general3A_501 = arith.constant dense<0.000000e+00> : vector<544x300xf32>
    %dot_general3A_502 = tpu.matmul %div3A_500, %slice3A_457, %dot_general3A_501 {dimension_numbers = #tpu.dot_dimension_numbers<[1], [0], [0], [1], [0, 0, 1, 1], [], []>, transpose_lhs_hint = false} : vector<544x544xf32>, vector<544x300xf32>, vector<544x300xf32> -> vector<544x300xf32>
    %add3A_503 = arith.addf %add3A_456, %dot_general3A_502 : vector<544x300xf32>
    %mul3A_504 = arith.constant 2.000000e-01 : f32
    %mul3A_505 = vector.broadcast %mul3A_504 : f32 to vector<544x300xf32>
    %mul3A_506 = arith.mulf %add3A_503, %mul3A_505 : vector<544x300xf32>
    %reshape3A_507 = vector.shape_cast %mul3A_506 : vector<544x300xf32> to vector<8x68x300xf32>
    %slice3A_508 = vector.extract_strided_slice %reshape3A_507 {offsets = [0, 0, 0], sizes = [8, 64, 300], strides = [1, 1, 1]} : vector<8x68x300xf32> to vector<8x64x300xf32>
    %reshape3A_509 = vector.shape_cast %slice3A_508 : vector<8x64x300xf32> to vector<512x300xf32>
    %slice3A_510 = vector.extract_strided_slice %reshape3A_507 {offsets = [0, 64, 0], sizes = [8, 4, 300], strides = [1, 1, 1]} : vector<8x68x300xf32> to vector<8x4x300xf32>
    %reshape3A_511 = vector.shape_cast %slice3A_510 : vector<8x4x300xf32> to vector<32x300xf32>
    %get3A_512 = arith.constant 0 : index
    %get3A_513 = arith.constant 0 : index
    %get3A_514 = vector.load %arg14[%get3A_512, %get3A_513] : memref<300x300xf32, #tpu.memory_space<vmem>>, vector<300x300xf32>
    %dot_general3A_515 = arith.constant dense<0.000000e+00> : vector<32x300xf32>
    %dot_general3A_516 = tpu.matmul %reshape3A_511, %get3A_514, %dot_general3A_515 {dimension_numbers = #tpu.dot_dimension_numbers<[1], [0], [0], [1], [0, 0, 1, 1], [], []>, transpose_lhs_hint = false} : vector<32x300xf32>, vector<300x300xf32>, vector<32x300xf32> -> vector<32x300xf32>
    %get3A_517 = arith.constant 0 : index
    %get3A_518 = arith.constant 0 : index
    %get3A_519 = vector.load %arg15[%get3A_517, %get3A_518] : memref<1x300xf32, #tpu.memory_space<vmem>>, vector<1x300xf32>
    %add3A_520 = vector.broadcast %get3A_519 : vector<1x300xf32> to vector<32x300xf32>
    %add3A_521 = arith.addf %dot_general3A_516, %add3A_520 : vector<32x300xf32>
    %tanh3A = math.tanh %add3A_521 : vector<32x300xf32>
    %get3A_522 = arith.constant 0 : index
    %get3A_523 = arith.constant 0 : index
    %get3A_524 = vector.load %arg16[%get3A_522, %get3A_523] : memref<1x300xf32, #tpu.memory_space<vmem>>, vector<1x300xf32>
    %dot_general3A_525 = arith.constant dense<0.000000e+00> : vector<1x32xf32>
    %dot_general3A_526 = tpu.matmul %get3A_524, %tanh3A, %dot_general3A_525 {dimension_numbers = #tpu.dot_dimension_numbers<[1], [1], [0], [0], [0, 0, 1, 0], [], []>, transpose_lhs_hint = false} : vector<1x300xf32>, vector<32x300xf32>, vector<1x32xf32> -> vector<1x32xf32>
    %get3A_527 = arith.constant 0 : index
    %get3A_528 = arith.constant 0 : index
    %get3A_529 = vector.load %arg20[%get3A_527, %get3A_528] : memref<8x32xf32, #tpu.memory_space<vmem>>, vector<8x32xf32>
    %gt3A_530 = arith.constant 0.000000e+00 : f32
    %gt3A_531 = vector.broadcast %gt3A_530 : f32 to vector<8x32xf32>
    %gt3A_532 = arith.cmpf ogt, %get3A_529, %gt3A_531 : vector<8x32xf32>
    %jit3A_533 = arith.constant -1.000000e+30 : f32
    %broadcast_in_dim3A_534 = vector.shape_cast %dot_general3A_526 : vector<1x32xf32> to vector<1x32xf32>
    %broadcast_in_dim3A_535 = vector.broadcast %broadcast_in_dim3A_534 : vector<1x32xf32> to vector<8x32xf32>
    %broadcast_in_dim3A_536 = vector.broadcast %jit3A_533 : f32 to vector<8x32xf32>
    %select_n3A_537 = arith.select %gt3A_532, %broadcast_in_dim3A_535, %broadcast_in_dim3A_536 : vector<8x32xi1>, vector<8x32xf32>
    %reduce_max3A_538 = arith.constant dense<0xFF800000> : vector<8xf32>
    %reduce_max3A_539 = vector.multi_reduction <maximumf>, %select_n3A_537, %reduce_max3A_538 [1] : vector<8x32xf32> to vector<8xf32>
    %broadcast_in_dim3A_540 = vector.shape_cast %reduce_max3A_539 : vector<8xf32> to vector<8x1xf32>
    %sub3A_541 = vector.broadcast %broadcast_in_dim3A_540 : vector<8x1xf32> to vector<8x32xf32>
    %sub3A_542 = arith.subf %select_n3A_537, %sub3A_541 : vector<8x32xf32>
    %exp3A_543 = math.exp %sub3A_542 : vector<8x32xf32>
    %mul3A_544 = arith.mulf %exp3A_543, %get3A_529 : vector<8x32xf32>
    %reduce_sum3A_545 = arith.constant dense<0.000000e+00> : vector<8xf32>
    %reduce_sum3A_546 = vector.multi_reduction <add>, %mul3A_544, %reduce_sum3A_545 [1] : vector<8x32xf32> to vector<8xf32>
    %broadcast_in_dim3A_547 = vector.shape_cast %reduce_sum3A_546 : vector<8xf32> to vector<8x1xf32>
    %add3A_548 = arith.constant 1.000000e-16 : f32
    %add3A_549 = vector.broadcast %add3A_548 : f32 to vector<8x1xf32>
    %add3A_550 = arith.addf %broadcast_in_dim3A_547, %add3A_549 : vector<8x1xf32>
    %div3A_551 = vector.broadcast %add3A_550 : vector<8x1xf32> to vector<8x32xf32>
    %div3A_552 = arith.divf %mul3A_544, %div3A_551 : vector<8x32xf32>
    %dot_general3A_553 = arith.constant dense<0.000000e+00> : vector<8x300xf32>
    %dot_general3A_554 = tpu.matmul %div3A_552, %reshape3A_511, %dot_general3A_553 {dimension_numbers = #tpu.dot_dimension_numbers<[1], [0], [0], [1], [0, 0, 1, 1], [], []>, transpose_lhs_hint = false} : vector<8x32xf32>, vector<32x300xf32>, vector<8x300xf32> -> vector<8x300xf32>
    %get3A_555 = arith.constant 0 : index
    %get3A_556 = arith.constant 0 : index
    %get3A_557 = vector.load %arg17[%get3A_555, %get3A_556] : memref<300x300xf32, #tpu.memory_space<vmem>>, vector<300x300xf32>
    %dot_general3A_558 = arith.constant dense<0.000000e+00> : vector<512x300xf32>
    %dot_general3A_559 = tpu.matmul %reshape3A_509, %get3A_557, %dot_general3A_558 {dimension_numbers = #tpu.dot_dimension_numbers<[1], [0], [0], [1], [0, 0, 1, 1], [], []>, transpose_lhs_hint = false} : vector<512x300xf32>, vector<300x300xf32>, vector<512x300xf32> -> vector<512x300xf32>
    %get3A_560 = arith.constant 0 : index
    %get3A_561 = arith.constant 0 : index
    %get3A_562 = vector.load %arg18[%get3A_560, %get3A_561] : memref<1x300xf32, #tpu.memory_space<vmem>>, vector<1x300xf32>
    %add3A_563 = vector.broadcast %get3A_562 : vector<1x300xf32> to vector<512x300xf32>
    %add3A_564 = arith.addf %dot_general3A_559, %add3A_563 : vector<512x300xf32>
    %tanh3A_565 = math.tanh %add3A_564 : vector<512x300xf32>
    %get3A_566 = arith.constant 0 : index
    %get3A_567 = arith.constant 0 : index
    %get3A_568 = vector.load %arg19[%get3A_566, %get3A_567] : memref<1x300xf32, #tpu.memory_space<vmem>>, vector<1x300xf32>
    %dot_general3A_569 = arith.constant dense<0.000000e+00> : vector<1x512xf32>
    %dot_general3A_570 = tpu.matmul %get3A_568, %tanh3A_565, %dot_general3A_569 {dimension_numbers = #tpu.dot_dimension_numbers<[1], [1], [0], [0], [0, 0, 1, 0], [], []>, transpose_lhs_hint = false} : vector<1x300xf32>, vector<512x300xf32>, vector<1x512xf32> -> vector<1x512xf32>
    %get3A_571 = arith.constant 0 : index
    %get3A_572 = arith.constant 0 : index
    %get3A_573 = vector.load %arg21[%get3A_571, %get3A_572] : memref<8x512xf32, #tpu.memory_space<vmem>>, vector<8x512xf32>
    %gt3A_574 = arith.constant 0.000000e+00 : f32
    %gt3A_575 = vector.broadcast %gt3A_574 : f32 to vector<8x512xf32>
    %gt3A_576 = arith.cmpf ogt, %get3A_573, %gt3A_575 : vector<8x512xf32>
    %jit3A_577 = arith.constant -1.000000e+30 : f32
    %broadcast_in_dim3A_578 = vector.shape_cast %dot_general3A_570 : vector<1x512xf32> to vector<1x512xf32>
    %broadcast_in_dim3A_579 = vector.broadcast %broadcast_in_dim3A_578 : vector<1x512xf32> to vector<8x512xf32>
    %broadcast_in_dim3A_580 = vector.broadcast %jit3A_577 : f32 to vector<8x512xf32>
    %select_n3A_581 = arith.select %gt3A_576, %broadcast_in_dim3A_579, %broadcast_in_dim3A_580 : vector<8x512xi1>, vector<8x512xf32>
    %reduce_max3A_582 = arith.constant dense<0xFF800000> : vector<8xf32>
    %reduce_max3A_583 = vector.multi_reduction <maximumf>, %select_n3A_581, %reduce_max3A_582 [1] : vector<8x512xf32> to vector<8xf32>
    %broadcast_in_dim3A_584 = vector.shape_cast %reduce_max3A_583 : vector<8xf32> to vector<8x1xf32>
    %sub3A_585 = vector.broadcast %broadcast_in_dim3A_584 : vector<8x1xf32> to vector<8x512xf32>
    %sub3A_586 = arith.subf %select_n3A_581, %sub3A_585 : vector<8x512xf32>
    %exp3A_587 = math.exp %sub3A_586 : vector<8x512xf32>
    %mul3A_588 = arith.mulf %exp3A_587, %get3A_573 : vector<8x512xf32>
    %reduce_sum3A_589 = arith.constant dense<0.000000e+00> : vector<8xf32>
    %reduce_sum3A_590 = vector.multi_reduction <add>, %mul3A_588, %reduce_sum3A_589 [1] : vector<8x512xf32> to vector<8xf32>
    %broadcast_in_dim3A_591 = vector.shape_cast %reduce_sum3A_590 : vector<8xf32> to vector<8x1xf32>
    %add3A_592 = arith.constant 1.000000e-16 : f32
    %add3A_593 = vector.broadcast %add3A_592 : f32 to vector<8x1xf32>
    %add3A_594 = arith.addf %broadcast_in_dim3A_591, %add3A_593 : vector<8x1xf32>
    %div3A_595 = vector.broadcast %add3A_594 : vector<8x1xf32> to vector<8x512xf32>
    %div3A_596 = arith.divf %mul3A_588, %div3A_595 : vector<8x512xf32>
    %dot_general3A_597 = arith.constant dense<0.000000e+00> : vector<8x300xf32>
    %dot_general3A_598 = tpu.matmul %div3A_596, %reshape3A_509, %dot_general3A_597 {dimension_numbers = #tpu.dot_dimension_numbers<[1], [0], [0], [1], [0, 0, 1, 1], [], []>, transpose_lhs_hint = false} : vector<8x512xf32>, vector<512x300xf32>, vector<8x300xf32> -> vector<8x300xf32>
    %get3A_599 = arith.constant 0 : index
    %get3A_600 = arith.constant 0 : index
    %get3A_601 = vector.load %arg22[%get3A_599, %get3A_600] : memref<8x1xf32, #tpu.memory_space<vmem>>, vector<8x1xf32>
    %get3A_602 = arith.constant 0 : index
    %get3A_603 = arith.constant 0 : index
    %get3A_604 = vector.load %arg23[%get3A_602, %get3A_603] : memref<1x300xf32, #tpu.memory_space<vmem>>, vector<1x300xf32>
    %mul3A_605 = vector.broadcast %get3A_601 : vector<8x1xf32> to vector<8x300xf32>
    %mul3A_606 = vector.broadcast %get3A_604 : vector<1x300xf32> to vector<8x300xf32>
    %mul3A_607 = arith.mulf %mul3A_605, %mul3A_606 : vector<8x300xf32>
    %get3A_608 = arith.constant 0 : index
    %get3A_609 = arith.constant 0 : index
    %get3A_610 = vector.load %arg24[%get3A_608, %get3A_609] : memref<1x300xf32, #tpu.memory_space<vmem>>, vector<1x300xf32>
    %add3A_611 = vector.broadcast %get3A_610 : vector<1x300xf32> to vector<8x300xf32>
    %add3A_612 = arith.addf %mul3A_607, %add3A_611 : vector<8x300xf32>
    %concatenate3A_613 = tpu.concatenate %dot_general3A_554, %dot_general3A_598, %add3A_612 in 1 : vector<8x300xf32>, vector<8x300xf32>, vector<8x300xf32> -> vector<8x900xf32>
    %get3A_614 = arith.constant 0 : index
    %get3A_615 = arith.constant 0 : index
    %get3A_616 = vector.load %arg25[%get3A_614, %get3A_615] : memref<900x1xf32, #tpu.memory_space<vmem>>, vector<900x1xf32>
    %dot_general3A_617 = arith.constant dense<0.000000e+00> : vector<8x1xf32>
    %dot_general3A_618 = tpu.matmul %concatenate3A_613, %get3A_616, %dot_general3A_617 {dimension_numbers = #tpu.dot_dimension_numbers<[1], [0], [0], [1], [0, 0, 1, 1], [], []>, transpose_lhs_hint = false} : vector<8x900xf32>, vector<900x1xf32>, vector<8x1xf32> -> vector<8x1xf32>
    %get3A_619 = arith.constant 0 : index
    %get3A_620 = arith.constant 0 : index
    %get3A_621 = vector.load %arg26[%get3A_619, %get3A_620] : memref<1x1xf32, #tpu.memory_space<vmem>>, vector<1x1xf32>
    %add3A_622 = vector.broadcast %get3A_621 : vector<1x1xf32> to vector<8x1xf32>
    %add3A_623 = arith.addf %dot_general3A_618, %add3A_622 : vector<8x1xf32>
    %swap3A = arith.constant 0 : index
    %swap3A_624 = arith.constant 0 : index
    %swap3A_625 = vector.load %arg27[%swap3A, %swap3A_624] : memref<8x1xf32, #tpu.memory_space<vmem>>, vector<8x1xf32>
    tpu.vector_store %arg27[%swap3A, %swap3A_624], %add3A_623 {strides = array<i32>} : memref<8x1xf32, #tpu.memory_space<vmem>>, vector<8x1xf32>,
    return
  }
}

</mosaic_0001>

<sc_bundles>
// kernel: kernel.5.cloned.1.call-start
scs
__scs_entry_jumppad:
0x0: {  	(pc) =	sbr.rel $0x88, $3  }
0x1: {  	(tag) =	ssettag $0x0;
	lr =	simm.s32 $0x1  }
0x2: {  	[smem:$0x3F80] =	sst lr;
	_ =	strace $0xD0000000  }
0x3: {  	_ = 	snop  }
0x4: {  	_ = 	snop  }
0x5: {  	_ = 	snop  }
0x6: {  	_ = 	snop  }
0x7: {  	_ = 	snop  }
__scs_overlays_trampoline_lowered:
0x8: {  	[smem:$0x3F8F] =	sst s0  }
0x9: {  	[smem:$0x3F90] =	sst s1  }
0xa: {  	[smem:$0x3F91] =	sst s2  }
0xb: {  	[smem:$0x3F92] =	sst s3  }
0xc: {  	[smem:$0x3F93] =	sst s4  }
0xd: {  	[smem:$0x3F94] =	sst s5  }
0xe: {  	[smem:$0x3F95] =	sst s6  }
0xf: {  	[smem:$0x3F96] =	sst s7  }
0x10: {  	[smem:$0x3F97] =	sst s8  }
0x11: {  	[smem:$0x3F98] =	sst s9;
	s0 =	simm.s32 @!p0 $0x0  }
0x12: {  	s1 =	sld [smem:$0x3F7E];
	s0 =	simm.s32 @p0 $0x1  }
0x13: {  	[smem:$0x3F99] =	sst s0;
	s0 =	simm.s32 @!p1 $0x0  }
0x14: {  	s2 =	sld [smem:$0x3F7D];
	s0 =	simm.s32 @p1 $0x1  }
0x15: {  	[smem:$0x3F9A] =	sst s0;
	s0 =	simm.s32 @!p2 $0x0  }
0x16: {  	s3 =	sld [smem:$0x3FDB];
	s0 =	simm.s32 @p2 $0x1  }
0x17: {  	s4 =	simm.s32 $0x1BF5;
	[smem:$0x3F9C] =	sst s0  }
0x18: {  	s0 =	sld [smem:$0x3F7F];
	_ =	swait.ge [sflag:s4], $0x0  }
0x19: {  	s7 =	sld [smem:$0x3F80]  }
0x1a: {  	s8 =	sadd.s32 $0xFFFFE003, lr  }
0x1b: {  	s9 =	sadd.s32 $0xFFFFFEF7, lr;
	s5 =	simm.s32 $0xFFFFFFFF;
	p2 =	slt.u32 s8, $0xFFFFF086  }
0x1c: {  	p1 =	slt.u32 s9, $0xF7A;
	s5 =	simm.s32 @!p2 $0x0  }
0x1d: {  	s5 =	simm.s32 @p1 $0x1;
	p0 =	seq.s32 s7, s2  }
0x1e: {  	s7 =	smul.u32 @!p0 $0xF7A, s2;
	p2 =	seq.s32 @!p0 s5, $0x0  }
0x1f: {  	s9 =	smul.u32 $0xF7A, s1;
	s8 =	simm.s32 @!p0 $0x1BF5;
	p2 =	por !p2, p0  }
0x20: {  	[sflag:s8] =	ssyncset.s32 @!p0 $0xFFFFF086;
	s6 =	sadd.s32 @!p0 s3, s7;
	s7 =	simm.s32 @!p0 $0x108  }
0x21: {  	s3 =	sadd.s32 s3, s9;
	s6 =	sadd.s32 @!p0 $0x88, s6;
	s7 =	simm.s32 @p2 $0x1082  }
0x22: {  	[simem:s7], [sflag:s8] =	dma.local @!p0 [hbm:s6], $0xF7A  }
0x23: {  	s9 =	sor.u32 $0xD0000000, s2;
	s6 =	simm.s32 $0x108;
	_ =	swait.ge @!p0 [sflag:s8], $0x0  }
0x24: {  	s3 =	sadd.s32 $0x88, s3;
	s6 =	simm.s32 @!p1 $0x1082;
	[sflag:s4] =	ssyncset.s32 $0xFFFFF086  }
0x25: {  	[simem:s6], [sflag:s4] =	dma.local [hbm:s3], $0xF7A  }
0x26: {  	[smem:$0x3F80] =	sst s1;
	(tag) =	ssettag s2;
	_ =	strace s9  }
0x27: {  	s1 =	sld [smem:$0x3F90]  }
0x28: {  	s2 =	sld [smem:$0x3F91]  }
0x29: {  	s4 =	sld [smem:$0x3F93]  }
0x2a: {  	p0 =	seq.s32 s5, $0x0;
	s5 =	sld [smem:$0x3F94]  }
0x2b: {  	s6 =	sld [smem:$0x3F95]  }
0x2c: {  	s7 =	sld [smem:$0x3F96]  }
0x2d: {  	s3 =	simm.s32 $0x108;
	s8 =	sld [smem:$0x3F97]  }
0x2e: {  	s3 =	simm.s32 @!p0 $0x1082;
	s9 =	sld [smem:$0x3F98]  }
0x2f: {  	lr =	sadd.s32 s0, s3;
	s0 =	sld [smem:$0x3F8F]  }
0x30: {  	s3 =	sld [smem:$0x3F92]  }
0x31: {  	[smem:$0x3F9B] =	sst s10  }
0x32: {  	s10 =	sld [smem:$0x3F99];
	_ =	sdelay $0x3  }
0x33: {  	p0 =	seq.s32 s10, $0x1;
	s10 =	sld [smem:$0x3F9B];
	_ =	sdelay $0x3  }
0x34: {  	[smem:$0x3F9B] =	sst s10  }
0x35: {  	s10 =	sld [smem:$0x3F9A];
	_ =	sdelay $0x3  }
0x36: {  	p1 =	seq.s32 s10, $0x1;
	s10 =	sld [smem:$0x3F9B];
	_ =	sdelay $0x3  }
0x37: {  	[smem:$0x3F9B] =	sst s10  }
0x38: {  	s10 =	sld [smem:$0x3F9C]  }
0x39: {  	_ = 	snop;
	(pc) =	sbr.ind lr, $3  }
0x3a: {  	_ = 	snop  }
0x3b: {  	_ = 	snop  }
0x3c: {  	p2 =	seq.s32 s10, $0x1;
	s10 =	sld [smem:$0x3F9B]  }
0x3d: {  	_ =	shalt  }
0x3e: {  	_ =	shalt  }
0x3f: {  	_ =	shalt  }
0x40: {  	_ =	shalt  }
0x41: {  	_ =	shalt  }
0x42: {  	_ =	shalt  }
0x43: {  	_ =	shalt  }
0x44: {  	_ =	shalt  }
0x45: {  	_ =	shalt  }
0x46: {  	_ =	shalt  }
0x47: {  	_ =	shalt  }
0x48: {  	_ =	shalt  }
0x49: {  	_ =	shalt  }
0x4a: {  	_ =	shalt  }
0x4b: {  	_ =	shalt  }
0x4c: {  	_ =	shalt  }
0x4d: {  	_ =	shalt  }
0x4e: {  	_ =	shalt  }
0x4f: {  	_ =	shalt  }
0x50: {  	_ =	shalt  }
0x51: {  	_ =	shalt  }
0x52: {  	_ =	shalt  }
0x53: {  	_ =	shalt  }
0x54: {  	_ =	shalt  }
0x55: {  	_ =	shalt  }
0x56: {  	_ =	shalt  }
0x57: {  	_ =	shalt  }
0x58: {  	_ =	shalt  }
0x59: {  	_ =	shalt  }
0x5a: {  	_ =	shalt  }
0x5b: {  	_ =	shalt  }
0x5c: {  	_ =	shalt  }
0x5d: {  	_ =	shalt  }
0x5e: {  	_ =	shalt  }
0x5f: {  	_ =	shalt  }
0x60: {  	_ =	shalt  }
0x61: {  	_ =	shalt  }
0x62: {  	_ =	shalt  }
0x63: {  	_ =	shalt  }
0x64: {  	_ =	shalt  }
0x65: {  	_ =	shalt  }
0x66: {  	_ =	shalt  }
0x67: {  	_ =	shalt  }
0x68: {  	_ =	shalt  }
0x69: {  	_ =	shalt  }
0x6a: {  	_ =	shalt  }
0x6b: {  	_ =	shalt  }
0x6c: {  	_ =	shalt  }
0x6d: {  	_ =	shalt  }
0x6e: {  	_ =	shalt  }
0x6f: {  	_ =	shalt  }
0x70: {  	_ =	shalt  }
0x71: {  	_ =	shalt  }
0x72: {  	_ =	shalt  }
0x73: {  	_ =	shalt  }
0x74: {  	_ =	shalt  }
0x75: {  	_ =	shalt  }
0x76: {  	_ =	shalt  }
0x77: {  	_ =	shalt  }
0x78: {  	_ =	shalt  }
0x79: {  	_ =	shalt  }
0x7a: {  	_ =	shalt  }
0x7b: {  	_ =	shalt  }
0x7c: {  	_ =	shalt  }
0x7d: {  	_ =	shalt  }
0x7e: {  	_ =	shalt  }
0x7f: {  	_ =	shalt  }
0x80: {  	_ =	shalt  }
0x81: {  	_ =	shalt  }
0x82: {  	_ =	shalt  }
0x83: {  	_ =	shalt  }
0x84: {  	_ =	shalt  }
0x85: {  	_ =	shalt  }
0x86: {  	_ =	shalt  }
0x87: {  	_ =	shalt  }
.Lfunc_end0:
.L_simem_size_0:
called_computation_lowered:
.L_overlay_start_0:
0x88: {  	s2 =	sld [smem:$0x3FD9]  }
0x89: {  	s3 =	sld [smem:$0x3FFE];
	_ =	sdelay $0x1  }
0x8a: {  	s1 =	srdreg.scid  }
0x8b: {  	s0 =	sand.u32 $0x1, s1  }
0x8c: {  	s16 =	sshll.u32 s0, $0xA;
	s2 =	sadd.s32 s3, s2  }
0x8d: {  	s2 =	sadd.s32 s2, s16  }
0x8e: {  	[smem:$0x3FA7] =	sst s2  }
0x8f: {  	_ = 	snop  }
0x90: {  	(tm) =	ssettm $0x1  }
0x91: {  	s17 =	sld [smem:$0x3FFB];
	_ =	sdelay $0x3  }
0x92: {  	_ =	strace s17  }
0x93: {  	s2 =	sld [smem:$0x3FFC];
	_ =	sdelay $0x3  }
0x94: {  	_ =	strace s2  }
0x95: {  	s2 =	sld [smem:$0x3FFD];
	_ =	sdelay $0x3  }
0x96: {  	_ =	strace s2  }
0x97: {  	_ =	strace $0x8FFFFFFF  }
0x98: {  	s18 =	sld [smem:$0x3FDB];
	_ =	sdelay $0x1  }
0x99: {  	s19 =	simm.s32 $_scs_section_size  }
0x9a: {  	s4 =	simm.s32 $_size__tile_overlayer_lowered;
	s5 =	simm.s32 $_tile_overlayer_lowered  }
0x9b: {  	s22 =	simm.s32 $0x1BFF;
	s21 =	sshll.u32 s5, $0x1;
	s2 =	sadd.s32 s19, s18  }
0x9c: {  	s6 =	simm.s32 $0x0;
	s20 =	sshll.u32 s4, $0x1;
	s4 =	sadd.s32 s21, s2  }
0x9d: {  	[timem:s6], [sflag:s22] =	dma.local [hbm:s4], s20  }
0x9e: {  	_ =	swait.ge [sflag:s22], s20  }
0x9f: {  	s3 =	ssub.s32 $0x0, s20;
	[sflag:s22] =	ssyncset.done $0x0  }
0xa0: {  	[sflag:s22] =	ssyncadd.s32 s3;
	_ =	sdelay $0x1  }
0xa1: {  	s23 =	simm.s32 $0x1B8B  }
0xa2: {  	_ =	swait.ge [sflag:s23], $0x1  }
0xa3: {  	[sflag:s23] =	ssyncset.done $0x0  }
0xa4: {  	s25 =	simm.s32 $0x1B8E;
	s24 =	sld [smem:$0x3FFE];
	[sflag:s23] =	ssyncadd.s32 $0xFFFFFFFF  }
0xa5: {  	s26 =	simm.s32 $execute0_lowered;
	[smem:$0x3FD2] =	sst s25  }
0xa6: {  	s4 =	sshll.u32 s26, $0x1;
	_ =	strace $0x80000046;
	[dreg:$0x1] =	wrdreg $0xFFFFFFFF  }
0xa7: {  	s28 =	simm.s32 $_size_execute0_lowered;
	s2 =	sadd.s32 s2, s4;
	[dreg:$0x0] =	wrdreg $0x0  }
0xa8: {  	s4 =	sshll.u32 s28, $0x1;
	[dreg:$0x2] =	wrdreg s2  }
0xa9: {  	[dreg:$0x3] =	wrdreg s4  }
0xaa: {  	[dreg:$0x4] =	wrdreg $0xC0  }
0xab: {  	_ =	task [dreg:s6], $0x5FFFF  }
0xac: {  	[dreg:$0x1] =	wrdreg $0xFFFFFFFF  }
0xad: {  	[dreg:$0x0] =	wrdreg $0x60  }
0xae: {  	[dreg:$0x2] =	wrdreg s24  }
0xaf: {  	[dreg:$0x3] =	wrdreg $0x9  }
0xb0: {  	_ =	task.clear_ibuf [dreg:s6], $0x4FFFF;
	_ =	strace $0x90000046  }
0xb1: {  	s29 =	simm.s32 $0x9;
	_ =	strace $0x80000048  }
0xb2: {  	_ =	swait.ge [sflag:s29], $0x1  }
0xb3: {  	[sflag:s29] =	ssyncadd.s32 $0xFFFFFFFF  }
0xb4: {  	_ =	strace $0x90000048  }
0xb5: {  	_ =	sfence  }
0xb6: {  	s30 =	sld [smem:$0x0];
	_ =	sdelay $0x2  }
0xb7: {  	s31 =	sshll.u32 s1, $0xD;
	s1 =	sshrl.u32 s1, $0x2  }
0xb8: {  	s3 =	sand.u32 $0x4000, s31;
	s1 =	sadd.s32 s1, s30  }
0xb9: {  	s0 =	sor.u32 s3, s0;
	s1 =	sshll.u32 s1, $0x11  }
0xba: {  	s0 =	sor.u32 s1, s0  }
0xbb: {  	s0 =	sadd.s32 $0x8F2B, s0  }
0xbc: {  	[sflag:s0] =	ssyncadd.remote.s32 $0x1  }
0xbd: {  	_ =	sfence.sel $0xFFFF  }
0xbe: {  	[dreg:$0x0] =	wrdreg $0xFFFFFFFF;
	(pc) =	sbr.abs _section_cstart, $3  }
0xbf: {  	[dreg:$0x1] =	wrdreg $0xFFFFFFFF  }
0xc0: {  	_ =	task.clear_ibuf [dreg:s6], $0x2FFFF;
	_ =	strace $0x9FFFFFFF  }
0xc1: {  	(tm) =	ssettm $0x7FFFFFFF  }
tec
execute0_lowered:
.L_overlay_start_1:
0x0: {  	(tag) =	ssettag $0x1  }
0x1: {  	s3 =	rddreg [dreg:$0x0];
	s2 =	simm.s32 $0x0  }
0x2: {  	[smem:$0x7FF] =	sst s2;
	s7 =	sadd.s32 $0x61EC00, s3  }
0x3: {  	s8 =	simm.s32 $0x980;
	_ =	strace $0x80000047;
	[dreg:$0x2] =	wrdreg s7  }
0x4: {  	s9 =	simm.s32 $0x1180;
	[dreg:$0x6] =	wrdreg s8  }
0x5: {  	s10 =	simm.s32 $0x1980;
	[dreg:$0x7] =	wrdreg s9  }
0x6: {  	s11 =	simm.s32 $0x2180;
	[dreg:$0x8] =	wrdreg s10  }
0x7: {  	s12 =	simm.s32 $0x2980;
	[dreg:$0x9] =	wrdreg s11  }
0x8: {  	s13 =	simm.s32 $0x3180;
	[dreg:$0xa] =	wrdreg s12  }
0x9: {  	s14 =	simm.s32 $0x3980;
	[dreg:$0xb] =	wrdreg s13  }
0xa: {  	s15 =	simm.s32 $0x4180;
	[dreg:$0xc] =	wrdreg s14  }
0xb: {  	s1 =	srdreg.scid;
	s16 =	simm.s32 $0x4980;
	[dreg:$0xd] =	wrdreg s15  }
0xc: {  	s0 =	stileid.u32;
	s17 =	simm.s32 $0x5180;
	[dreg:$0xe] =	wrdreg s16  }
0xd: {  	s18 =	simm.s32 $0x5980;
	s19 =	simm.s32 $0x6180;
	[dreg:$0xf] =	wrdreg s17  }
0xe: {  	s20 =	simm.s32 $0x6980;
	s21 =	simm.s32 $0x7180;
	[dreg:$0x10] =	wrdreg s18  }
0xf: {  	s23 =	simm.s32 $0x7980;
	s24 =	simm.s32 $0x8180;
	[dreg:$0x11] =	wrdreg s19  }
0x10: {  	s25 =	simm.s32 $0x8980;
	s26 =	simm.s32 $0x9180;
	[dreg:$0x12] =	wrdreg s20  }
0x11: {  	s28 =	simm.s32 $0x13980;
	s29 =	simm.s32 $0x140;
	[dreg:$0x13] =	wrdreg s21  }
0x12: {  	s30 =	simm.s32 $0x14180;
	s31 =	simm.s32 $0x1;
	[dreg:$0x14] =	wrdreg s23  }
0x13: {  	s1 =	sand.u32 $0x1, s1;
	s4 =	sshll.u32 s0, $0x1;
	[dreg:$0x15] =	wrdreg s24  }
0x14: {  	s4 =	sor.u32 s1, s4;
	s1 =	ssub.s32 $0x2, s1;
	[dreg:$0x16] =	wrdreg s25  }
0x15: {  	[dreg:$0x17] =	wrdreg s26;
	s8 =	simm.s32 $0xA180;
	s9 =	simm.s32 $0xA980  }
0x16: {  	s10 =	simm.s32 $0xB180;
	s11 =	simm.s32 $0xB980;
	s12 =	simm.s32 $0xC180  }
0x17: {  	s13 =	simm.s32 $0xC980;
	s14 =	simm.s32 $0xD180;
	s15 =	simm.s32 $0xD980  }
0x18: {  	s16 =	simm.s32 $0xE180;
	s17 =	simm.s32 $0xE980;
	s18 =	simm.s32 $0xF180  }
0x19: {  	s19 =	simm.s32 $0xF980;
	s20 =	simm.s32 $0x10180;
	s21 =	simm.s32 $0x10980  }
0x1a: {  	s23 =	simm.s32 $0x11980;
	s24 =	simm.s32 $0x12180;
	s5 =	smul.u32 $0x28, s4  }
0x1b: {  	s25 =	simm.s32 $0x12980;
	s26 =	simm.s32 $0x13180;
	s6 =	smul.u32 $0x2800, s4  }
0x1c: {  	s4 =	smul.u32 $0x1400, s4;
	s22 =	sshrl.u32 s1, $0x1;
	s5 =	sadd.s32 s5, s3  }
0x1d: {  	s1 =	ssub.s32 s1, s22;
	s6 =	sadd.s32 s6, s3;
	s5 =	sadd.s32 $0x61E600, s5  }
0x1e: {  	s4 =	sadd.s32 s4, s3;
	s7 =	sadd.s32 $0x497C00, s6;
	[dreg:$0x3] =	wrdreg s5  }
0x1f: {  	v2 =	vlaneseq.u32;
	s22 =	simm.s32 $0x11180;
	s4 =	sadd.s32 $0x4E7C00, s4;
	[dreg:$0x4] =	wrdreg s7  }
0x20: {  	vm0 =	vmmov $0xffff;
	v1 =	vshrl.u32 v2, $0x3;
	s3 =	sadd.s32 $0x3E00, s3;
	s6 =	simm.s32 $0x180;
	[dreg:$0x5] =	wrdreg s4  }
0x21: {  	v0 =	vand.u32 $0x7, v2;
	v2 =	vor.u32 $0x8, v2;
	v1 =	vmul.u32 $0x8, v1;
	s4 =	smax.u32 s1, $0x1;
	s5 =	simm.s32 $0x3;
	s1 =	simm.s32 $0x2  }
.LBB2_1:
0x22: {  	s0 =	rddreg [dreg:$0x3]  }
0x23: {  	[tilespmem:s2], [sflag:$0x3] =	stream.linear.gather [hbm4b:s0+s2], $0x140, $0x38;
	[tilespmem:$0x1E180] =	vst v63  }
0x24: {  	_ =	swait.ge [sflag:s5], $0x140  }
0x25: {  	[sflag:s5] =	ssyncset.done $0x0  }
0x26: {  	[sflag:s5] =	ssyncadd.s32 $0xFFFFFEC0  }
0x27: {  	v3 =	vld [tilespmem:$0x0];
	_ =	sdelay $0x4  }
0x28: {  	v4 =	vshrl.u32 v3, $0x3  }
0x29: {  	v4 =	vmul.u32 $0x18, v4  }
0x2a: {  	v3 =	vand.u32 $0x7, v3  }
0x2b: {  	v3 =	vor.u32 v3, v4  }
0x2c: {  	v4 =	vperm.xlane v3, v0;
	_ =	sdelay $0x1  }
0x2d: {  	v3 =	vperm.xlane v3, v2;
	v4 =	vadd.s32 v1, v4;
	_ =	sdelay $0x1  }
0x2e: {  	v3 =	vadd.s32 v1, v3;
	_ =	sdelay $0x2  }
0x2f: {  	[tilespmem:s6], [sflag:$0x1] =	stream.indirect_vreg.gather [hbm4b:s3+s2], $0x80, v4, vm0, $0xb8;
	[tilespmem:$0x1E180] =	vst v63  }
0x30: {  	s7 =	rddreg [dreg:$0x6]  }
0x31: {  	[tilespmem:s7], [sflag:$0x1] =	stream.indirect_vreg.gather [hbm4b:s3+s2], $0x80, v3, vm0, $0xb8;
	[tilespmem:$0x1E180] =	vst v63  }
0x32: {  	v3 =	vld [tilespmem:$0x10];
	_ =	sdelay $0x4  }
0x33: {  	v45 =	vshrl.u32 v3, $0x3  }
0x34: {  	v4 =	vmul.u32 $0x18, v45  }
0x35: {  	v3 =	vand.u32 $0x7, v3  }
0x36: {  	v3 =	vor.u32 v3, v4  }
0x37: {  	v4 =	vperm.xlane v3, v0;
	_ =	sdelay $0x1  }
0x38: {  	v3 =	vperm.xlane v3, v2;
	v4 =	vadd.s32 v1, v4;
	_ =	sdelay $0x1  }
0x39: {  	v3 =	vadd.s32 v1, v3;
	_ =	sdelay $0x1  }
0x3a: {  	s0 =	rddreg [dreg:$0x7]  }
0x3b: {  	[tilespmem:s0], [sflag:$0x1] =	stream.indirect_vreg.gather [hbm4b:s3+s2], $0x80, v4, vm0, $0xb8;
	[tilespmem:$0x1E180] =	vst v63  }
0x3c: {  	s7 =	rddreg [dreg:$0x8]  }
0x3d: {  	[tilespmem:s7], [sflag:$0x1] =	stream.indirect_vreg.gather [hbm4b:s3+s2], $0x80, v3, vm0, $0xb8;
	[tilespmem:$0x1E180] =	vst v63  }
0x3e: {  	v3 =	vld [tilespmem:$0x20];
	_ =	sdelay $0x4  }
0x3f: {  	v46 =	vshrl.u32 v3, $0x3  }
0x40: {  	v4 =	vmul.u32 $0x18, v46  }
0x41: {  	v3 =	vand.u32 $0x7, v3  }
0x42: {  	v3 =	vor.u32 v3, v4  }
0x43: {  	v4 =	vperm.xlane v3, v0;
	_ =	sdelay $0x1  }
0x44: {  	v3 =	vperm.xlane v3, v2;
	v4 =	vadd.s32 v1, v4;
	_ =	sdelay $0x1  }
0x45: {  	v3 =	vadd.s32 v1, v3;
	_ =	sdelay $0x1  }
0x46: {  	s0 =	rddreg [dreg:$0x9]  }
0x47: {  	[tilespmem:s0], [sflag:$0x1] =	stream.indirect_vreg.gather [hbm4b:s3+s2], $0x80, v4, vm0, $0xb8;
	[tilespmem:$0x1E180] =	vst v63  }
0x48: {  	s7 =	rddreg [dreg:$0xa]  }
0x49: {  	[tilespmem:s7], [sflag:$0x1] =	stream.indirect_vreg.gather [hbm4b:s3+s2], $0x80, v3, vm0, $0xb8;
	[tilespmem:$0x1E180] =	vst v63  }
0x4a: {  	v3 =	vld [tilespmem:$0x30];
	_ =	sdelay $0x4  }
0x4b: {  	v47 =	vshrl.u32 v3, $0x3  }
0x4c: {  	v4 =	vmul.u32 $0x18, v47  }
0x4d: {  	v3 =	vand.u32 $0x7, v3  }
0x4e: {  	v3 =	vor.u32 v3, v4  }
0x4f: {  	v4 =	vperm.xlane v3, v0;
	_ =	sdelay $0x1  }
0x50: {  	v3 =	vperm.xlane v3, v2;
	v4 =	vadd.s32 v1, v4;
	_ =	sdelay $0x1  }
0x51: {  	v3 =	vadd.s32 v1, v3;
	_ =	sdelay $0x1  }
0x52: {  	s0 =	rddreg [dreg:$0xb]  }
0x53: {  	[tilespmem:s0], [sflag:$0x1] =	stream.indirect_vreg.gather [hbm4b:s3+s2], $0x80, v4, vm0, $0xb8;
	[tilespmem:$0x1E180] =	vst v63  }
0x54: {  	s7 =	rddreg [dreg:$0xc]  }
0x55: {  	[tilespmem:s7], [sflag:$0x1] =	stream.indirect_vreg.gather [hbm4b:s3+s2], $0x80, v3, vm0, $0xb8;
	[tilespmem:$0x1E180] =	vst v63  }
0x56: {  	v3 =	vld [tilespmem:$0x40];
	_ =	sdelay $0x4  }
0x57: {  	v48 =	vshrl.u32 v3, $0x3  }
0x58: {  	v4 =	vmul.u32 $0x18, v48  }
0x59: {  	v3 =	vand.u32 $0x7, v3  }
0x5a: {  	v3 =	vor.u32 v3, v4  }
0x5b: {  	v4 =	vperm.xlane v3, v0;
	_ =	sdelay $0x1  }
0x5c: {  	v3 =	vperm.xlane v3, v2;
	v4 =	vadd.s32 v1, v4;
	_ =	sdelay $0x1  }
0x5d: {  	v3 =	vadd.s32 v1, v3;
	_ =	sdelay $0x1  }
0x5e: {  	s0 =	rddreg [dreg:$0xd]  }
0x5f: {  	[tilespmem:s0], [sflag:$0x1] =	stream.indirect_vreg.gather [hbm4b:s3+s2], $0x80, v4, vm0, $0xb8;
	[tilespmem:$0x1E180] =	vst v63  }
0x60: {  	s7 =	rddreg [dreg:$0xe]  }
0x61: {  	[tilespmem:s7], [sflag:$0x1] =	stream.indirect_vreg.gather [hbm4b:s3+s2], $0x80, v3, vm0, $0xb8;
	[tilespmem:$0x1E180] =	vst v63  }
0x62: {  	v3 =	vld [tilespmem:$0x50];
	_ =	sdelay $0x4  }
0x63: {  	v49 =	vshrl.u32 v3, $0x3  }
0x64: {  	v4 =	vmul.u32 $0x18, v49  }
0x65: {  	v3 =	vand.u32 $0x7, v3  }
0x66: {  	v3 =	vor.u32 v3, v4  }
0x67: {  	v4 =	vperm.xlane v3, v0;
	_ =	sdelay $0x1  }
0x68: {  	v3 =	vperm.xlane v3, v2;
	v4 =	vadd.s32 v1, v4;
	_ =	sdelay $0x1  }
0x69: {  	v3 =	vadd.s32 v1, v3;
	_ =	sdelay $0x1  }
0x6a: {  	s0 =	rddreg [dreg:$0xf]  }
0x6b: {  	[tilespmem:s0], [sflag:$0x1] =	stream.indirect_vreg.gather [hbm4b:s3+s2], $0x80, v4, vm0, $0xb8;
	[tilespmem:$0x1E180] =	vst v63  }
0x6c: {  	s7 =	rddreg [dreg:$0x10]  }
0x6d: {  	[tilespmem:s7], [sflag:$0x1] =	stream.indirect_vreg.gather [hbm4b:s3+s2], $0x80, v3, vm0, $0xb8;
	[tilespmem:$0x1E180] =	vst v63  }
0x6e: {  	v3 =	vld [tilespmem:$0x60];
	_ =	sdelay $0x4  }
0x6f: {  	v50 =	vshrl.u32 v3, $0x3  }
0x70: {  	v4 =	vmul.u32 $0x18, v50  }
0x71: {  	v3 =	vand.u32 $0x7, v3  }
0x72: {  	v3 =	vor.u32 v3, v4  }
0x73: {  	v4 =	vperm.xlane v3, v0;
	_ =	sdelay $0x1  }
0x74: {  	v3 =	vperm.xlane v3, v2;
	v4 =	vadd.s32 v1, v4;
	_ =	sdelay $0x1  }
0x75: {  	v3 =	vadd.s32 v1, v3;
	_ =	sdelay $0x1  }
0x76: {  	s0 =	rddreg [dreg:$0x11]  }
0x77: {  	[tilespmem:s0], [sflag:$0x1] =	stream.indirect_vreg.gather [hbm4b:s3+s2], $0x80, v4, vm0, $0xb8;
	[tilespmem:$0x1E180] =	vst v63  }
0x78: {  	s7 =	rddreg [dreg:$0x12]  }
0x79: {  	[tilespmem:s7], [sflag:$0x1] =	stream.indirect_vreg.gather [hbm4b:s3+s2], $0x80, v3, vm0, $0xb8;
	[tilespmem:$0x1E180] =	vst v63  }
0x7a: {  	v3 =	vld [tilespmem:$0x70];
	_ =	sdelay $0x4  }
0x7b: {  	v51 =	vshrl.u32 v3, $0x3  }
0x7c: {  	v4 =	vmul.u32 $0x18, v51  }
0x7d: {  	v3 =	vand.u32 $0x7, v3  }
0x7e: {  	v3 =	vor.u32 v3, v4  }
0x7f: {  	v4 =	vperm.xlane v3, v0;
	_ =	sdelay $0x1  }
0x80: {  	v3 =	vperm.xlane v3, v2;
	v4 =	vadd.s32 v1, v4;
	_ =	sdelay $0x1  }
0x81: {  	v3 =	vadd.s32 v1, v3;
	_ =	sdelay $0x1  }
0x82: {  	s0 =	rddreg [dreg:$0x13]  }
0x83: {  	[tilespmem:s0], [sflag:$0x1] =	stream.indirect_vreg.gather [hbm4b:s3+s2], $0x80, v4, vm0, $0xb8;
	[tilespmem:$0x1E180] =	vst v63  }
0x84: {  	s7 =	rddreg [dreg:$0x14]  }
0x85: {  	[tilespmem:s7], [sflag:$0x1] =	stream.indirect_vreg.gather [hbm4b:s3+s2], $0x80, v3, vm0, $0xb8;
	[tilespmem:$0x1E180] =	vst v63  }
0x86: {  	v3 =	vld [tilespmem:$0x80];
	_ =	sdelay $0x4  }
0x87: {  	v52 =	vshrl.u32 v3, $0x3  }
0x88: {  	v4 =	vmul.u32 $0x18, v52  }
0x89: {  	v3 =	vand.u32 $0x7, v3  }
0x8a: {  	v3 =	vor.u32 v3, v4  }
0x8b: {  	v4 =	vperm.xlane v3, v0;
	_ =	sdelay $0x1  }
0x8c: {  	v3 =	vperm.xlane v3, v2;
	v4 =	vadd.s32 v1, v4;
	_ =	sdelay $0x1  }
0x8d: {  	v3 =	vadd.s32 v1, v3;
	_ =	sdelay $0x1  }
0x8e: {  	s0 =	rddreg [dreg:$0x15]  }
0x8f: {  	[tilespmem:s0], [sflag:$0x1] =	stream.indirect_vreg.gather [hbm4b:s3+s2], $0x80, v4, vm0, $0xb8;
	[tilespmem:$0x1E180] =	vst v63  }
0x90: {  	s7 =	rddreg [dreg:$0x16]  }
0x91: {  	[tilespmem:s7], [sflag:$0x1] =	stream.indirect_vreg.gather [hbm4b:s3+s2], $0x80, v3, vm0, $0xb8;
	[tilespmem:$0x1E180] =	vst v63  }
0x92: {  	v3 =	vld [tilespmem:$0x90];
	_ =	sdelay $0x4  }
0x93: {  	v53 =	vshrl.u32 v3, $0x3  }
0x94: {  	v4 =	vmul.u32 $0x18, v53  }
0x95: {  	v3 =	vand.u32 $0x7, v3  }
0x96: {  	v3 =	vor.u32 v3, v4  }
0x97: {  	v4 =	vperm.xlane v3, v0;
	_ =	sdelay $0x1  }
0x98: {  	v3 =	vperm.xlane v3, v2;
	v4 =	vadd.s32 v1, v4;
	_ =	sdelay $0x1  }
0x99: {  	v3 =	vadd.s32 v1, v3;
	_ =	sdelay $0x1  }
0x9a: {  	s7 =	rddreg [dreg:$0x17]  }
0x9b: {  	[tilespmem:s7], [sflag:$0x1] =	stream.indirect_vreg.gather [hbm4b:s3+s2], $0x80, v4, vm0, $0xb8;
	[tilespmem:$0x1E180] =	vst v63  }
0x9c: {  	s7 =	simm.s32 $0x9980  }
0x9d: {  	[tilespmem:s7], [sflag:$0x1] =	stream.indirect_vreg.gather [hbm4b:s3+s2], $0x80, v3, vm0, $0xb8;
	[tilespmem:$0x1E180] =	vst v63  }
0x9e: {  	v3 =	vld [tilespmem:$0xA0];
	_ =	sdelay $0x4  }
0x9f: {  	v54 =	vshrl.u32 v3, $0x3  }
0xa0: {  	v4 =	vmul.u32 $0x18, v54  }
0xa1: {  	v3 =	vand.u32 $0x7, v3  }
0xa2: {  	v3 =	vor.u32 v3, v4  }
0xa3: {  	v4 =	vperm.xlane v3, v0;
	_ =	sdelay $0x1  }
0xa4: {  	v3 =	vperm.xlane v3, v2;
	v4 =	vadd.s32 v1, v4;
	_ =	sdelay $0x1  }
0xa5: {  	v3 =	vadd.s32 v1, v3;
	_ =	sdelay $0x2  }
0xa6: {  	[tilespmem:s8], [sflag:$0x1] =	stream.indirect_vreg.gather [hbm4b:s3+s2], $0x80, v4, vm0, $0xb8;
	[tilespmem:$0x1E180] =	vst v63  }
0xa7: {  	_ = 	snop  }
0xa8: {  	[tilespmem:s9], [sflag:$0x1] =	stream.indirect_vreg.gather [hbm4b:s3+s2], $0x80, v3, vm0, $0xb8;
	[tilespmem:$0x1E180] =	vst v63  }
0xa9: {  	v3 =	vld [tilespmem:$0xB0];
	_ =	sdelay $0x4  }
0xaa: {  	v55 =	vshrl.u32 v3, $0x3  }
0xab: {  	v4 =	vmul.u32 $0x18, v55  }
0xac: {  	v3 =	vand.u32 $0x7, v3  }
0xad: {  	v3 =	vor.u32 v3, v4  }
0xae: {  	v4 =	vperm.xlane v3, v0;
	_ =	sdelay $0x1  }
0xaf: {  	v3 =	vperm.xlane v3, v2;
	v4 =	vadd.s32 v1, v4;
	_ =	sdelay $0x1  }
0xb0: {  	v3 =	vadd.s32 v1, v3;
	_ =	sdelay $0x2  }
0xb1: {  	[tilespmem:s10], [sflag:$0x1] =	stream.indirect_vreg.gather [hbm4b:s3+s2], $0x80, v4, vm0, $0xb8;
	[tilespmem:$0x1E180] =	vst v63  }
0xb2: {  	_ = 	snop  }
0xb3: {  	[tilespmem:s11], [sflag:$0x1] =	stream.indirect_vreg.gather [hbm4b:s3+s2], $0x80, v3, vm0, $0xb8;
	[tilespmem:$0x1E180] =	vst v63  }
0xb4: {  	v3 =	vld [tilespmem:$0xC0];
	_ =	sdelay $0x4  }
0xb5: {  	v56 =	vshrl.u32 v3, $0x3  }
0xb6: {  	v4 =	vmul.u32 $0x18, v56  }
0xb7: {  	v3 =	vand.u32 $0x7, v3  }
0xb8: {  	v3 =	vor.u32 v3, v4  }
0xb9: {  	v4 =	vperm.xlane v3, v0;
	_ =	sdelay $0x1  }
0xba: {  	v3 =	vperm.xlane v3, v2;
	v4 =	vadd.s32 v1, v4;
	_ =	sdelay $0x1  }
0xbb: {  	v3 =	vadd.s32 v1, v3;
	_ =	sdelay $0x2  }
0xbc: {  	[tilespmem:s12], [sflag:$0x1] =	stream.indirect_vreg.gather [hbm4b:s3+s2], $0x80, v4, vm0, $0xb8;
	[tilespmem:$0x1E180] =	vst v63  }
0xbd: {  	_ = 	snop  }
0xbe: {  	[tilespmem:s13], [sflag:$0x1] =	stream.indirect_vreg.gather [hbm4b:s3+s2], $0x80, v3, vm0, $0xb8;
	[tilespmem:$0x1E180] =	vst v63  }
0xbf: {  	v3 =	vld [tilespmem:$0xD0];
	_ =	sdelay $0x4  }
0xc0: {  	v57 =	vshrl.u32 v3, $0x3  }
0xc1: {  	v4 =	vmul.u32 $0x18, v57  }
0xc2: {  	v3 =	vand.u32 $0x7, v3  }
0xc3: {  	v3 =	vor.u32 v3, v4  }
0xc4: {  	v4 =	vperm.xlane v3, v0;
	_ =	sdelay $0x1  }
0xc5: {  	v3 =	vperm.xlane v3, v2;
	v4 =	vadd.s32 v1, v4;
	_ =	sdelay $0x1  }
0xc6: {  	v3 =	vadd.s32 v1, v3;
	_ =	sdelay $0x2  }
0xc7: {  	[tilespmem:s14], [sflag:$0x1] =	stream.indirect_vreg.gather [hbm4b:s3+s2], $0x80, v4, vm0, $0xb8;
	[tilespmem:$0x1E180] =	vst v63  }
0xc8: {  	_ = 	snop  }
0xc9: {  	[tilespmem:s15], [sflag:$0x1] =	stream.indirect_vreg.gather [hbm4b:s3+s2], $0x80, v3, vm0, $0xb8;
	[tilespmem:$0x1E180] =	vst v63  }
0xca: {  	v3 =	vld [tilespmem:$0xE0];
	_ =	sdelay $0x4  }
0xcb: {  	v58 =	vshrl.u32 v3, $0x3  }
0xcc: {  	v4 =	vmul.u32 $0x18, v58  }
0xcd: {  	v3 =	vand.u32 $0x7, v3  }
0xce: {  	v3 =	vor.u32 v3, v4  }
0xcf: {  	v4 =	vperm.xlane v3, v0;
	_ =	sdelay $0x1  }
0xd0: {  	v3 =	vperm.xlane v3, v2;
	v4 =	vadd.s32 v1, v4;
	_ =	sdelay $0x1  }
0xd1: {  	v3 =	vadd.s32 v1, v3;
	_ =	sdelay $0x2  }
0xd2: {  	[tilespmem:s16], [sflag:$0x1] =	stream.indirect_vreg.gather [hbm4b:s3+s2], $0x80, v4, vm0, $0xb8;
	[tilespmem:$0x1E180] =	vst v63  }
0xd3: {  	_ = 	snop  }
0xd4: {  	[tilespmem:s17], [sflag:$0x1] =	stream.indirect_vreg.gather [hbm4b:s3+s2], $0x80, v3, vm0, $0xb8;
	[tilespmem:$0x1E180] =	vst v63  }
0xd5: {  	v3 =	vld [tilespmem:$0xF0];
	_ =	sdelay $0x4  }
0xd6: {  	v59 =	vshrl.u32 v3, $0x3  }
0xd7: {  	v4 =	vmul.u32 $0x18, v59  }
0xd8: {  	v3 =	vand.u32 $0x7, v3  }
0xd9: {  	v3 =	vor.u32 v3, v4  }
0xda: {  	v4 =	vperm.xlane v3, v0;
	_ =	sdelay $0x1  }
0xdb: {  	v3 =	vperm.xlane v3, v2;
	v4 =	vadd.s32 v1, v4;
	_ =	sdelay $0x1  }
0xdc: {  	v3 =	vadd.s32 v1, v3;
	_ =	sdelay $0x2  }
0xdd: {  	[tilespmem:s18], [sflag:$0x1] =	stream.indirect_vreg.gather [hbm4b:s3+s2], $0x80, v4, vm0, $0xb8;
	[tilespmem:$0x1E180] =	vst v63  }
0xde: {  	_ = 	snop  }
0xdf: {  	[tilespmem:s19], [sflag:$0x1] =	stream.indirect_vreg.gather [hbm4b:s3+s2], $0x80, v3, vm0, $0xb8;
	[tilespmem:$0x1E180] =	vst v63  }
0xe0: {  	v3 =	vld [tilespmem:$0x100];
	_ =	sdelay $0x4  }
0xe1: {  	v60 =	vshrl.u32 v3, $0x3  }
0xe2: {  	v4 =	vmul.u32 $0x18, v60  }
0xe3: {  	v3 =	vand.u32 $0x7, v3  }
0xe4: {  	v3 =	vor.u32 v3, v4  }
0xe5: {  	v4 =	vperm.xlane v3, v0;
	_ =	sdelay $0x1  }
0xe6: {  	v3 =	vperm.xlane v3, v2;
	v4 =	vadd.s32 v1, v4;
	_ =	sdelay $0x1  }
0xe7: {  	v3 =	vadd.s32 v1, v3;
	_ =	sdelay $0x2  }
0xe8: {  	[tilespmem:s20], [sflag:$0x1] =	stream.indirect_vreg.gather [hbm4b:s3+s2], $0x80, v4, vm0, $0xb8;
	[tilespmem:$0x1E180] =	vst v63  }
0xe9: {  	_ = 	snop  }
0xea: {  	[tilespmem:s21], [sflag:$0x1] =	stream.indirect_vreg.gather [hbm4b:s3+s2], $0x80, v3, vm0, $0xb8;
	[tilespmem:$0x1E180] =	vst v63  }
0xeb: {  	v3 =	vld [tilespmem:$0x110];
	_ =	sdelay $0x4  }
0xec: {  	v61 =	vshrl.u32 v3, $0x3  }
0xed: {  	v4 =	vmul.u32 $0x18, v61  }
0xee: {  	v3 =	vand.u32 $0x7, v3  }
0xef: {  	v3 =	vor.u32 v3, v4  }
0xf0: {  	v4 =	vperm.xlane v3, v0;
	_ =	sdelay $0x1  }
0xf1: {  	v3 =	vperm.xlane v3, v2;
	v4 =	vadd.s32 v1, v4;
	_ =	sdelay $0x1  }
0xf2: {  	v3 =	vadd.s32 v1, v3;
	_ =	sdelay $0x2  }
0xf3: {  	[tilespmem:s22], [sflag:$0x1] =	stream.indirect_vreg.gather [hbm4b:s3+s2], $0x80, v4, vm0, $0xb8;
	[tilespmem:$0x1E180] =	vst v63  }
0xf4: {  	_ = 	snop  }
0xf5: {  	[tilespmem:s23], [sflag:$0x1] =	stream.indirect_vreg.gather [hbm4b:s3+s2], $0x80, v3, vm0, $0xb8;
	[tilespmem:$0x1E180] =	vst v63  }
0xf6: {  	v3 =	vld [tilespmem:$0x120];
	_ =	sdelay $0x4  }
0xf7: {  	v62 =	vshrl.u32 v3, $0x3  }
0xf8: {  	v4 =	vmul.u32 $0x18, v62  }
0xf9: {  	v3 =	vand.u32 $0x7, v3  }
0xfa: {  	v3 =	vor.u32 v3, v4  }
0xfb: {  	v4 =	vperm.xlane v3, v0;
	_ =	sdelay $0x1  }
0xfc: {  	v3 =	vperm.xlane v3, v2;
	v4 =	vadd.s32 v1, v4;
	_ =	sdelay $0x1  }
0xfd: {  	v3 =	vadd.s32 v1, v3;
	_ =	sdelay $0x2  }
0xfe: {  	[tilespmem:s24], [sflag:$0x1] =	stream.indirect_vreg.gather [hbm4b:s3+s2], $0x80, v4, vm0, $0xb8;
	[tilespmem:$0x1E180] =	vst v63  }
0xff: {  	_ = 	snop  }
0x100: {  	[tilespmem:s25], [sflag:$0x1] =	stream.indirect_vreg.gather [hbm4b:s3+s2], $0x80, v3, vm0, $0xb8;
	[tilespmem:$0x1E180] =	vst v63  }
0x101: {  	v3 =	vld [tilespmem:$0x130];
	_ =	sdelay $0x4  }
0x102: {  	v63 =	vshrl.u32 v3, $0x3  }
0x103: {  	v4 =	vmul.u32 $0x18, v63  }
0x104: {  	v3 =	vand.u32 $0x7, v3  }
0x105: {  	v3 =	vor.u32 v3, v4  }
0x106: {  	v4 =	vperm.xlane v3, v0;
	_ =	sdelay $0x1  }
0x107: {  	v3 =	vperm.xlane v3, v2;
	v4 =	vadd.s32 v1, v4;
	_ =	sdelay $0x1  }
0x108: {  	v3 =	vadd.s32 v1, v3;
	_ =	sdelay $0x2  }
0x109: {  	[tilespmem:s26], [sflag:$0x1] =	stream.indirect_vreg.gather [hbm4b:s3+s2], $0x80, v4, vm0, $0xb8;
	[tilespmem:$0x1E180] =	vst v63  }
0x10a: {  	_ = 	snop  }
0x10b: {  	[tilespmem:s28], [sflag:$0x1] =	stream.indirect_vreg.gather [hbm4b:s3+s2], $0x80, v3, vm0, $0xb8;
	[tilespmem:$0x1E180] =	vst v63  }
0x10c: {  	s7 =	rddreg [dreg:$0x2]  }
0x10d: {  	[tilespmem:s30], [sflag:$0x2] =	stream.indirect.gather [hbm4b:s7+s29], $0x80, s2, s29, $0xb8;
	[tilespmem:$0x1E180] =	vst v63  }
0x10e: {  	_ =	swait.ge [sflag:s31], $0x14000  }
0x10f: {  	[sflag:s31] =	ssyncset.done $0x0  }
0x110: {  	[sflag:s31] =	ssyncadd.s32 $0xFFFEC000  }
0x111: {  	_ =	swait.ge [sflag:s1], $0xA000  }
0x112: {  	[sflag:s1] =	ssyncset.done $0x0  }
0x113: {  	s7 =	rddreg [dreg:$0x4];
	[sflag:s1] =	ssyncadd.s32 $0xFFFF6000  }
0x114: {  	[hbm4b:s7+s2] =	stream.linear.scatter [tilespmem:s6], [sflag:$0x3], $0x14000, $0x38;
	[tilespmem:$0x1E180] =	vst v63  }
0x115: {  	_ =	swait.ge [sflag:s5], $0x14000  }
0x116: {  	p0 =	sne.s32 s4, $0x1;
	[sflag:s5] =	ssyncset.done $0x0  }
.Ltmp0:
0x117: {  	s7 =	rddreg [dreg:$0x5];
	[sflag:s5] =	ssyncadd.s32 $0xFFFEC000;
	(pc) =	sbr.rel @p0 .LBB2_1-.Ltmp0, $4  }
0x118: {  	[hbm4b:s7+s2] =	stream.linear.scatter [tilespmem:s30], [sflag:$0x3], $0xA000, $0x38;
	[tilespmem:$0x1E180] =	vst v63  }
0x119: {  	_ =	swait.ge [sflag:s5], $0xA000  }
0x11a: {  	[sflag:s5] =	ssyncset.done $0x0  }
0x11b: {  	s4 =	sadd.s32 $0xFFFFFFFF, s4;
	[sflag:s5] =	ssyncadd.s32 $0xFFFF6000  }
0x11c: {  	_ =	sfence.sel $0x180000  }
0x11d: {  	[bflag:$0x0] =	sbarrier.arrive $0xFFFF  }
0x11e: {  	_ =	strace $0x90000047  }
0x11f: {  	s0 =	stileid.u32;
	[bflag:$0x2] =	sbarrier.arrive $0xFFFF  }
0x120: {  	p0 =	sne.s32 s0, $0x0;
	s0 =	rddreg [dreg:$0x1]  }
0x121: {  	s0 =	sadd.s32 @!p0 $0x100000, s0  }
0x122: {  	[sflag:s0] =	ssyncadd.tile.s32 @!p0 $0x1;
	_ =	shalt  }
.Lfunc_end2:
_tile_overlayer_lowered:
.L_overlay_start_2:
0x123: {  	(tag) =	ssettag $0x2  }
0x124: {  	s0 =	rddreg [dreg:$0x0];
	s2 =	stileid.u32  }
0x125: {  	s1 =	rddreg [dreg:$0x1];
	p0 =	sne.s32 s2, $0x0  }
0x126: {  	s3 =	rddreg [dreg:$0x2];
	[bflag:$0x3] =	sbarrier.arrive $0xFFFF;
	s2 =	simm.s32 @!p0 $0x1C03  }
0x127: {  	[timem:s3], [sflag:s2] =	dma.local @!p0 [hbm:s0], s1  }
0x128: {  	s0 =	simm.s32 @!p0 $0x3  }
0x129: {  	_ =	swait.ge @!p0 [sflag:s0], s1  }
0x12a: {  	s1 =	ssub.s32 @!p0 $0x0, s1;
	[sflag:s0] =	ssyncset.done @!p0 $0x0  }
0x12b: {  	[sflag:s0] =	ssyncadd.s32 @!p0 s1  }
0x12c: {  	[bflag:$0x3] =	sbarrier.arrive $0xFFFF  }
0x12d: {  	_ =	shalt  }

</sc_bundles>
